<compile_context>
chip_gen: v7x
topology: tpu7x:2x2x1
jax: 0.10.2.dev20260603
libtpu: 0.0.44.dev20260713+nightly
codegen_flags: <defaults>
</compile_context>

<pallas_src>
import functools

import jax
import jax.numpy as jnp
from jax import lax
from jax.experimental import pallas as pl
from jax.experimental.pallas import tpu as pltpu
from jax.experimental.pallas import tpu_sc as plsc

VOCAB = 100000
EMBED = 128
BATCH = 4096
SEQ = 200

_info = plsc.get_sparse_core_info()
NC, NS, L = _info.num_cores, _info.num_subcores, _info.num_lanes
NW = NC * NS
ROWS = BATCH * SEQ
RPW = ROWS // NW
CHUNK = 100
NCHUNK = RPW // CHUNK
NBUF = 4


def _body(w1_hbm, idx_hbm, w2_hbm, out_hbm,
          idx_v, w2_v, b0, b1, b2, b3,
          g0, g1, g2, g3, s0, s1, s2, s3):
    bufs = [b0, b1, b2, b3]
    gsems = [g0, g1, g2, g3]
    ssems = [s0, s1, s2, s3]

    wid = lax.axis_index("s") * NC + lax.axis_index("c")
    base = wid * RPW

    pltpu.sync_copy(idx_hbm.at[wid], idx_v)
    pltpu.sync_copy(w2_hbm.at[pl.ds(0, SEQ)], w2_v)

    def gather_desc(g, b):
        return pltpu.make_async_copy(w1_hbm.at[idx_v.at[g]], bufs[b], gsems[b])

    def scatter_desc(g, b):
        return pltpu.make_async_copy(
            bufs[b], out_hbm.at[pl.ds(base + g * CHUNK, CHUNK)], ssems[b])

    gather_desc(0, 0).start()
    gather_desc(1, 1).start()

    @pl.loop(0, NCHUNK, step=NBUF)
    def _chunks(G):
        for b in range(NBUF):
            g = G + b
            gather_desc(g, b).wait()

            s_off = lax.rem(g, 2) * CHUNK
            buf = bufs[b]

            @pl.loop(0, CHUNK)
            def _rows(r):
                for c in range(EMBED // L):
                    sl = pl.ds(c * L, L)
                    buf[r, sl] = buf[r, sl] + w2_v[s_off + r, sl]

            scatter_desc(g, b).start()

            b2 = (b + 2) % NBUF

            @pl.when(g >= 2)
            def _():
                scatter_desc(g - 2, b2).wait()

            @pl.when(g + 2 < NCHUNK)
            def _():
                gather_desc(g + 2, b2).start()

    scatter_desc(NCHUNK - 2, (NCHUNK - 2) % NBUF).wait()
    scatter_desc(NCHUNK - 1, (NCHUNK - 1) % NBUF).wait()


def _make_kernel():
    mesh = plsc.VectorSubcoreMesh(core_axis_name="c", subcore_axis_name="s")
    return pl.kernel(
        _body,
        out_type=jax.ShapeDtypeStruct((ROWS, EMBED), jnp.float32),
        mesh=mesh,
        compiler_params=pltpu.CompilerParams(use_tc_tiling_on_sc=False),
        scratch_types=[
            pltpu.VMEM((NCHUNK, CHUNK), jnp.int32),
            pltpu.VMEM((SEQ, EMBED), jnp.float32),
        ] + [pltpu.VMEM((CHUNK, EMBED), jnp.float32) for _ in range(NBUF)]
          + [pltpu.SemaphoreType.DMA for _ in range(2 * NBUF)],
    )


_kernel_call = _make_kernel()


@jax.jit
def kernel(input, W1, W2):
    idx3 = input.astype(jnp.int32).reshape(NW, NCHUNK, CHUNK)
    out = _kernel_call(W1, idx3, W2)
    return out.reshape(BATCH, SEQ, EMBED)

# --- scband reference (transcript-rebuilt; emitter-appended) ---
"""Pipeline reference for scband-input-embedding-77068893160142 (READ-ONLY COPY).

The authoritative reference and input builder live on the scoring server;
editing this copy changes nothing except your own understanding.
"""

import jax, jax.numpy as jnp
import numpy as np

VOCAB = 100000
EMBED = 128
BATCH = 4096
SEQ = 200

def setup_inputs(seed: int = 0) -> dict:
    key = jax.random.key(seed)
    k_idx, k_w1, k_w2 = jax.random.split(key, 3)
    inp = jax.random.randint(k_idx, (BATCH, SEQ), 0, VOCAB, dtype=jnp.int64 if jax.config.jax_enable_x64 else jnp.int32)
    W1 = jax.random.normal(k_w1, (VOCAB, EMBED), dtype=jnp.float32)
    W2 = jax.random.normal(k_w2, (VOCAB, EMBED), dtype=jnp.float32)
    return {"input": inp, "W1": W1, "W2": W2}

def reference(input, W1, W2):
    # token embedding lookup
    first_embedding = jnp.take(W1, input, axis=0)            # [B, S, E]
    batch_size, seq_len = input.shape
    positions_vector = jnp.arange(0, seq_len)                # [S]
    second_embedding = jnp.take(W2, positions_vector, axis=0)  # [S, E]
    second_embedding = jnp.broadcast_to(second_embedding[None, :, :], (batch_size, seq_len, second_embedding.shape[-1]))
    # dropout is identity in eval mode
    return first_embedding + second_embedding

if __name__ == "__main__":
    import jax
    _d = setup_inputs()
    print(jax.jit(kernel)(*tuple(_d.values())))

</pallas_src>

<mosaic_0001>
#map = affine_map<(d0, d1) -> (0, 0)>
#map1 = affine_map<(d0, d1) -> (0, 0, 0)>
module attributes {stable_mosaic.version = 14 : i64} {
  func.func @_body(%arg0: i32, %arg1: i32, %arg2: memref<100000x128xf32, #tpu.memory_space<hbm>>, %arg3: memref<32x256x100xi32, #tpu.memory_space<hbm>>, %arg4: memref<100000x128xf32, #tpu.memory_space<hbm>>, %arg5: memref<819200x128xf32, #tpu.memory_space<hbm>>, %arg6: memref<256x100xi32, #tpu.memory_space<vmem>>, %arg7: memref<200x128xf32, #tpu.memory_space<vmem>>, %arg8: memref<100x128xf32, #tpu.memory_space<vmem>>, %arg9: memref<100x128xf32, #tpu.memory_space<vmem>>, %arg10: memref<100x128xf32, #tpu.memory_space<vmem>>, %arg11: memref<100x128xf32, #tpu.memory_space<vmem>>, %arg12: memref<!tpu.dma_semaphore, #tpu.memory_space<semaphore_mem>>, %arg13: memref<!tpu.dma_semaphore, #tpu.memory_space<semaphore_mem>>, %arg14: memref<!tpu.dma_semaphore, #tpu.memory_space<semaphore_mem>>, %arg15: memref<!tpu.dma_semaphore, #tpu.memory_space<semaphore_mem>>, %arg16: memref<!tpu.dma_semaphore, #tpu.memory_space<semaphore_mem>>, %arg17: memref<!tpu.dma_semaphore, #tpu.memory_space<semaphore_mem>>, %arg18: memref<!tpu.dma_semaphore, #tpu.memory_space<semaphore_mem>>, %arg19: memref<!tpu.dma_semaphore, #tpu.memory_space<semaphore_mem>>) attributes {dimension_semantics = [#tpu.dimension_semantics<core_parallel>, #tpu.dimension_semantics<subcore_parallel>], iteration_bounds = array<i64: 2, 16>, scalar_prefetch = 0 : i64, scratch_operands = 14 : i64, tpu.core_type = #tpu.core_type<sc_vector_subcore>, window_params = [{transform_indices = #map}, {transform_indices = #map1}, {transform_indices = #map}, {transform_indices = #map}]} {
    %mul3A = arith.constant 2 : i32
    %mul3A_0 = arith.muli %arg1, %mul3A : i32
    %add3A = arith.addi %mul3A_0, %arg0 : i32
    %mul3A_1 = arith.constant 25600 : i32
    %mul3A_2 = arith.muli %add3A, %mul3A_1 : i32
    "tpu.region"() ({
      %run_scoped3A = tpu.sem_alloc : memref<!tpu.dma_semaphore, #tpu.memory_space<semaphore_mem>>
      %dma_start3A_31 = arith.constant 0 : i32
      %dma_start3A_32 = arith.constant 0 : i32
      %dma_start3A_33 = tpu.memref_slice %arg3[%add3A, %dma_start3A_31, %dma_start3A_32] : memref<32x256x100xi32, #tpu.memory_space<hbm>> -> memref<1x256x100xi32, #tpu.memory_space<hbm>>
      %dma_start3A_34 = tpu.memref_squeeze %dma_start3A_33 : memref<1x256x100xi32, #tpu.memory_space<hbm>> -> memref<256x100xi32, #tpu.memory_space<hbm>>
      %dma_start3A_35 = arith.constant 0 : i32
      %dma_start3A_36 = arith.constant 0 : i32
      %dma_start3A_37 = tpu.memref_slice %arg3[%add3A, %dma_start3A_35, %dma_start3A_36] : memref<32x256x100xi32, #tpu.memory_space<hbm>> -> memref<1x256x100xi32, #tpu.memory_space<hbm>>
      %dma_start3A_38 = tpu.memref_squeeze %dma_start3A_37 : memref<1x256x100xi32, #tpu.memory_space<hbm>> -> memref<256x100xi32, #tpu.memory_space<hbm>>
      tpu.enqueue_dma source(%dma_start3A_38 : memref<256x100xi32, #tpu.memory_space<hbm>>) target(%arg6 : memref<256x100xi32, #tpu.memory_space<vmem>>) target_semaphore(%run_scoped3A : memref<!tpu.dma_semaphore, #tpu.memory_space<semaphore_mem>>)
      %dma_wait3A_39 = arith.constant 0 : i32
      %dma_wait3A_40 = arith.constant 0 : i32
      %dma_wait3A_41 = tpu.memref_slice %arg3[%add3A, %dma_wait3A_39, %dma_wait3A_40] : memref<32x256x100xi32, #tpu.memory_space<hbm>> -> memref<1x256x100xi32, #tpu.memory_space<hbm>>
      %dma_wait3A_42 = tpu.memref_squeeze %dma_wait3A_41 : memref<1x256x100xi32, #tpu.memory_space<hbm>> -> memref<256x100xi32, #tpu.memory_space<hbm>>
      %dma_wait3A_43 = arith.constant 0 : i32
      %dma_wait3A_44 = arith.constant 0 : i32
      %dma_wait3A_45 = tpu.memref_slice %arg3[%add3A, %dma_wait3A_43, %dma_wait3A_44] : memref<32x256x100xi32, #tpu.memory_space<hbm>> -> memref<1x256x100xi32, #tpu.memory_space<hbm>>
      %dma_wait3A_46 = tpu.memref_squeeze %dma_wait3A_45 : memref<1x256x100xi32, #tpu.memory_space<hbm>> -> memref<256x100xi32, #tpu.memory_space<hbm>>
      tpu.wait_dma2 semaphore(%run_scoped3A : memref<!tpu.dma_semaphore, #tpu.memory_space<semaphore_mem>>) src(%dma_wait3A_46 : memref<256x100xi32, #tpu.memory_space<hbm>>) dst(%arg6 : memref<256x100xi32, #tpu.memory_space<vmem>>)
      tpu.yield
    }) : () -> ()
    "tpu.region"() ({
      %run_scoped3A = tpu.sem_alloc : memref<!tpu.dma_semaphore, #tpu.memory_space<semaphore_mem>>
      %dma_start3A_31 = arith.constant 0 : i32
      %dma_start3A_32 = arith.constant 0 : i32
      %dma_start3A_33 = tpu.memref_slice %arg4[%dma_start3A_31, %dma_start3A_32] : memref<100000x128xf32, #tpu.memory_space<hbm>> -> memref<200x128xf32, #tpu.memory_space<hbm>>
      %dma_start3A_34 = arith.constant 0 : i32
      %dma_start3A_35 = arith.constant 0 : i32
      %dma_start3A_36 = tpu.memref_slice %arg4[%dma_start3A_34, %dma_start3A_35] : memref<100000x128xf32, #tpu.memory_space<hbm>> -> memref<200x128xf32, #tpu.memory_space<hbm>>
      tpu.enqueue_dma source(%dma_start3A_36 : memref<200x128xf32, #tpu.memory_space<hbm>>) target(%arg7 : memref<200x128xf32, #tpu.memory_space<vmem>>) target_semaphore(%run_scoped3A : memref<!tpu.dma_semaphore, #tpu.memory_space<semaphore_mem>>)
      %dma_wait3A_37 = arith.constant 0 : i32
      %dma_wait3A_38 = arith.constant 0 : i32
      %dma_wait3A_39 = tpu.memref_slice %arg4[%dma_wait3A_37, %dma_wait3A_38] : memref<100000x128xf32, #tpu.memory_space<hbm>> -> memref<200x128xf32, #tpu.memory_space<hbm>>
      %dma_wait3A_40 = arith.constant 0 : i32
      %dma_wait3A_41 = arith.constant 0 : i32
      %dma_wait3A_42 = tpu.memref_slice %arg4[%dma_wait3A_40, %dma_wait3A_41] : memref<100000x128xf32, #tpu.memory_space<hbm>> -> memref<200x128xf32, #tpu.memory_space<hbm>>
      tpu.wait_dma2 semaphore(%run_scoped3A : memref<!tpu.dma_semaphore, #tpu.memory_space<semaphore_mem>>) src(%dma_wait3A_42 : memref<200x128xf32, #tpu.memory_space<hbm>>) dst(%arg7 : memref<200x128xf32, #tpu.memory_space<vmem>>)
      tpu.yield
    }) : () -> ()
    %dma_start3A = arith.constant 0 : i32
    %dma_start3A_3 = arith.constant 0 : i32
    %dma_start3A_4 = tpu.memref_slice %arg6[%dma_start3A, %dma_start3A_3] : memref<256x100xi32, #tpu.memory_space<vmem>> -> memref<1x100xi32, #tpu.memory_space<vmem>>
    %dma_start3A_5 = tpu.memref_squeeze %dma_start3A_4 : memref<1x100xi32, #tpu.memory_space<vmem>> -> memref<100xi32, #tpu.memory_space<vmem>>
    %dma_start3A_6 = arith.constant 0 : i32
    %dma_start3A_7 = arith.constant 0 : i32
    %dma_start3A_8 = tpu.memref_slice %arg2[%dma_start3A_6, %dma_start3A_7] : memref<100000x128xf32, #tpu.memory_space<hbm>> -> memref<100000x128xf32, #tpu.memory_space<hbm>>
    tpu.enqueue_indirect_dma source(%dma_start3A_8 : memref<100000x128xf32, #tpu.memory_space<hbm>>) target(%arg8 : memref<100x128xf32, #tpu.memory_space<vmem>>) offsets(%dma_start3A_5 : memref<100xi32, #tpu.memory_space<vmem>>) semaphore(%arg12 : memref<!tpu.dma_semaphore, #tpu.memory_space<semaphore_mem>>)
    %dma_start3A_9 = arith.constant 1 : i32
    %dma_start3A_10 = arith.constant 0 : i32
    %dma_start3A_11 = tpu.memref_slice %arg6[%dma_start3A_9, %dma_start3A_10] : memref<256x100xi32, #tpu.memory_space<vmem>> -> memref<1x100xi32, #tpu.memory_space<vmem>>
    %dma_start3A_12 = tpu.memref_squeeze %dma_start3A_11 : memref<1x100xi32, #tpu.memory_space<vmem>> -> memref<100xi32, #tpu.memory_space<vmem>>
    %dma_start3A_13 = arith.constant 0 : i32
    %dma_start3A_14 = arith.constant 0 : i32
    %dma_start3A_15 = tpu.memref_slice %arg2[%dma_start3A_13, %dma_start3A_14] : memref<100000x128xf32, #tpu.memory_space<hbm>> -> memref<100000x128xf32, #tpu.memory_space<hbm>>
    tpu.enqueue_indirect_dma source(%dma_start3A_15 : memref<100000x128xf32, #tpu.memory_space<hbm>>) target(%arg9 : memref<100x128xf32, #tpu.memory_space<vmem>>) offsets(%dma_start3A_12 : memref<100xi32, #tpu.memory_space<vmem>>) semaphore(%arg13 : memref<!tpu.dma_semaphore, #tpu.memory_space<semaphore_mem>>)
    %scan3A = arith.constant 0 : i32
    %scan3A_16 = arith.constant 64 : i32
    %scan3A_17 = arith.addi %scan3A, %scan3A_16 : i32
    %scan3A_18 = arith.constant 1 : i32
    scf.for %scan3A_31 = %scan3A to %scan3A_17 step %scan3A_18  : i32 {
      %mul3A_32 = arith.constant 4 : i32
      %mul3A_33 = arith.muli %scan3A_31, %mul3A_32 : i32
      %add3A_34 = arith.constant 0 : i32
      %add3A_35 = arith.addi %add3A_34, %mul3A_33 : i32
      %add3A_36 = arith.constant 0 : i32
      %add3A_37 = arith.addi %add3A_35, %add3A_36 : i32
      %dma_wait3A_38 = arith.constant 0 : i32
      %dma_wait3A_39 = tpu.memref_slice %arg6[%add3A_37, %dma_wait3A_38] : memref<256x100xi32, #tpu.memory_space<vmem>> -> memref<1x100xi32, #tpu.memory_space<vmem>>
      %dma_wait3A_40 = tpu.memref_squeeze %dma_wait3A_39 : memref<1x100xi32, #tpu.memory_space<vmem>> -> memref<100xi32, #tpu.memory_space<vmem>>
      %dma_wait3A_41 = arith.constant 0 : i32
      %dma_wait3A_42 = arith.constant 0 : i32
      %dma_wait3A_43 = tpu.memref_slice %arg2[%dma_wait3A_41, %dma_wait3A_42] : memref<100000x128xf32, #tpu.memory_space<hbm>> -> memref<100000x128xf32, #tpu.memory_space<hbm>>
      tpu.wait_indirect_dma semaphore(%arg12 : memref<!tpu.dma_semaphore, #tpu.memory_space<semaphore_mem>>) src(%dma_wait3A_43 : memref<100000x128xf32, #tpu.memory_space<hbm>>) dst(%arg8 : memref<100x128xf32, #tpu.memory_space<vmem>>)
      %rem3A = arith.constant 2 : i32
      %rem3A_44 = arith.remsi %add3A_37, %rem3A : i32
      %mul3A_45 = arith.constant 100 : i32
      %mul3A_46 = arith.muli %rem3A_44, %mul3A_45 : i32
      %scan3A_47 = arith.constant 0 : i32
      %scan3A_48 = arith.constant 100 : i32
      %scan3A_49 = arith.addi %scan3A_47, %scan3A_48 : i32
      %scan3A_50 = arith.constant 1 : i32
      scf.for %scan3A_175 = %scan3A_47 to %scan3A_49 step %scan3A_50  : i32 {
        %mul3A_176 = arith.constant 1 : i32
        %mul3A_177 = arith.muli %scan3A_175, %mul3A_176 : i32
        %add3A_178 = arith.constant 0 : i32
        %add3A_179 = arith.addi %add3A_178, %mul3A_177 : i32
        %get3A = arith.index_cast %add3A_179 : i32 to index
        %get3A_180 = arith.constant 0 : index
        %get3A_181 = tpu.vector_load %arg8[%get3A, %get3A_180] {strides = array<i32>} : memref<100x128xf32, #tpu.memory_space<vmem>>, vector<1x16xf32>,
        %get3A_182 = vector.shape_cast %get3A_181 : vector<1x16xf32> to vector<16xf32>
        %add3A_183 = arith.addi %mul3A_46, %add3A_179 : i32
        %get3A_184 = arith.index_cast %add3A_183 : i32 to index
        %get3A_185 = arith.constant 0 : index
        %get3A_186 = tpu.vector_load %arg7[%get3A_184, %get3A_185] {strides = array<i32>} : memref<200x128xf32, #tpu.memory_space<vmem>>, vector<1x16xf32>,
        %get3A_187 = vector.shape_cast %get3A_186 : vector<1x16xf32> to vector<16xf32>
        %add3A_188 = arith.addf %get3A_182, %get3A_187 : vector<16xf32>
        %swap3A = arith.index_cast %add3A_179 : i32 to index
        %swap3A_189 = arith.constant 0 : index
        %swap3A_190 = tpu.vector_load %arg8[%swap3A, %swap3A_189] {strides = array<i32>} : memref<100x128xf32, #tpu.memory_space<vmem>>, vector<1x16xf32>,
        %swap3A_191 = vector.shape_cast %swap3A_190 : vector<1x16xf32> to vector<16xf32>
        %swap3A_192 = vector.shape_cast %add3A_188 : vector<16xf32> to vector<1x16xf32>
        tpu.vector_store %arg8[%swap3A, %swap3A_189], %swap3A_192 {strides = array<i32>} : memref<100x128xf32, #tpu.memory_space<vmem>>, vector<1x16xf32>,
        %get3A_193 = arith.index_cast %add3A_179 : i32 to index
        %get3A_194 = arith.constant 16 : index
        %get3A_195 = tpu.vector_load %arg8[%get3A_193, %get3A_194] {strides = array<i32>} : memref<100x128xf32, #tpu.memory_space<vmem>>, vector<1x16xf32>,
        %get3A_196 = vector.shape_cast %get3A_195 : vector<1x16xf32> to vector<16xf32>
        %add3A_197 = arith.addi %mul3A_46, %add3A_179 : i32
        %get3A_198 = arith.index_cast %add3A_197 : i32 to index
        %get3A_199 = arith.constant 16 : index
        %get3A_200 = tpu.vector_load %arg7[%get3A_198, %get3A_199] {strides = array<i32>} : memref<200x128xf32, #tpu.memory_space<vmem>>, vector<1x16xf32>,
        %get3A_201 = vector.shape_cast %get3A_200 : vector<1x16xf32> to vector<16xf32>
        %add3A_202 = arith.addf %get3A_196, %get3A_201 : vector<16xf32>
        %swap3A_203 = arith.index_cast %add3A_179 : i32 to index
        %swap3A_204 = arith.constant 16 : index
        %swap3A_205 = tpu.vector_load %arg8[%swap3A_203, %swap3A_204] {strides = array<i32>} : memref<100x128xf32, #tpu.memory_space<vmem>>, vector<1x16xf32>,
        %swap3A_206 = vector.shape_cast %swap3A_205 : vector<1x16xf32> to vector<16xf32>
        %swap3A_207 = vector.shape_cast %add3A_202 : vector<16xf32> to vector<1x16xf32>
        tpu.vector_store %arg8[%swap3A_203, %swap3A_204], %swap3A_207 {strides = array<i32>} : memref<100x128xf32, #tpu.memory_space<vmem>>, vector<1x16xf32>,
        %get3A_208 = arith.index_cast %add3A_179 : i32 to index
        %get3A_209 = arith.constant 32 : index
        %get3A_210 = tpu.vector_load %arg8[%get3A_208, %get3A_209] {strides = array<i32>} : memref<100x128xf32, #tpu.memory_space<vmem>>, vector<1x16xf32>,
        %get3A_211 = vector.shape_cast %get3A_210 : vector<1x16xf32> to vector<16xf32>
        %add3A_212 = arith.addi %mul3A_46, %add3A_179 : i32
        %get3A_213 = arith.index_cast %add3A_212 : i32 to index
        %get3A_214 = arith.constant 32 : index
        %get3A_215 = tpu.vector_load %arg7[%get3A_213, %get3A_214] {strides = array<i32>} : memref<200x128xf32, #tpu.memory_space<vmem>>, vector<1x16xf32>,
        %get3A_216 = vector.shape_cast %get3A_215 : vector<1x16xf32> to vector<16xf32>
        %add3A_217 = arith.addf %get3A_211, %get3A_216 : vector<16xf32>
        %swap3A_218 = arith.index_cast %add3A_179 : i32 to index
        %swap3A_219 = arith.constant 32 : index
        %swap3A_220 = tpu.vector_load %arg8[%swap3A_218, %swap3A_219] {strides = array<i32>} : memref<100x128xf32, #tpu.memory_space<vmem>>, vector<1x16xf32>,
        %swap3A_221 = vector.shape_cast %swap3A_220 : vector<1x16xf32> to vector<16xf32>
        %swap3A_222 = vector.shape_cast %add3A_217 : vector<16xf32> to vector<1x16xf32>
        tpu.vector_store %arg8[%swap3A_218, %swap3A_219], %swap3A_222 {strides = array<i32>} : memref<100x128xf32, #tpu.memory_space<vmem>>, vector<1x16xf32>,
        %get3A_223 = arith.index_cast %add3A_179 : i32 to index
        %get3A_224 = arith.constant 48 : index
        %get3A_225 = tpu.vector_load %arg8[%get3A_223, %get3A_224] {strides = array<i32>} : memref<100x128xf32, #tpu.memory_space<vmem>>, vector<1x16xf32>,
        %get3A_226 = vector.shape_cast %get3A_225 : vector<1x16xf32> to vector<16xf32>
        %add3A_227 = arith.addi %mul3A_46, %add3A_179 : i32
        %get3A_228 = arith.index_cast %add3A_227 : i32 to index
        %get3A_229 = arith.constant 48 : index
        %get3A_230 = tpu.vector_load %arg7[%get3A_228, %get3A_229] {strides = array<i32>} : memref<200x128xf32, #tpu.memory_space<vmem>>, vector<1x16xf32>,
        %get3A_231 = vector.shape_cast %get3A_230 : vector<1x16xf32> to vector<16xf32>
        %add3A_232 = arith.addf %get3A_226, %get3A_231 : vector<16xf32>
        %swap3A_233 = arith.index_cast %add3A_179 : i32 to index
        %swap3A_234 = arith.constant 48 : index
        %swap3A_235 = tpu.vector_load %arg8[%swap3A_233, %swap3A_234] {strides = array<i32>} : memref<100x128xf32, #tpu.memory_space<vmem>>, vector<1x16xf32>,
        %swap3A_236 = vector.shape_cast %swap3A_235 : vector<1x16xf32> to vector<16xf32>
        %swap3A_237 = vector.shape_cast %add3A_232 : vector<16xf32> to vector<1x16xf32>
        tpu.vector_store %arg8[%swap3A_233, %swap3A_234], %swap3A_237 {strides = array<i32>} : memref<100x128xf32, #tpu.memory_space<vmem>>, vector<1x16xf32>,
        %get3A_238 = arith.index_cast %add3A_179 : i32 to index
        %get3A_239 = arith.constant 64 : index
        %get3A_240 = tpu.vector_load %arg8[%get3A_238, %get3A_239] {strides = array<i32>} : memref<100x128xf32, #tpu.memory_space<vmem>>, vector<1x16xf32>,
        %get3A_241 = vector.shape_cast %get3A_240 : vector<1x16xf32> to vector<16xf32>
        %add3A_242 = arith.addi %mul3A_46, %add3A_179 : i32
        %get3A_243 = arith.index_cast %add3A_242 : i32 to index
        %get3A_244 = arith.constant 64 : index
        %get3A_245 = tpu.vector_load %arg7[%get3A_243, %get3A_244] {strides = array<i32>} : memref<200x128xf32, #tpu.memory_space<vmem>>, vector<1x16xf32>,
        %get3A_246 = vector.shape_cast %get3A_245 : vector<1x16xf32> to vector<16xf32>
        %add3A_247 = arith.addf %get3A_241, %get3A_246 : vector<16xf32>
        %swap3A_248 = arith.index_cast %add3A_179 : i32 to index
        %swap3A_249 = arith.constant 64 : index
        %swap3A_250 = tpu.vector_load %arg8[%swap3A_248, %swap3A_249] {strides = array<i32>} : memref<100x128xf32, #tpu.memory_space<vmem>>, vector<1x16xf32>,
        %swap3A_251 = vector.shape_cast %swap3A_250 : vector<1x16xf32> to vector<16xf32>
        %swap3A_252 = vector.shape_cast %add3A_247 : vector<16xf32> to vector<1x16xf32>
        tpu.vector_store %arg8[%swap3A_248, %swap3A_249], %swap3A_252 {strides = array<i32>} : memref<100x128xf32, #tpu.memory_space<vmem>>, vector<1x16xf32>,
        %get3A_253 = arith.index_cast %add3A_179 : i32 to index
        %get3A_254 = arith.constant 80 : index
        %get3A_255 = tpu.vector_load %arg8[%get3A_253, %get3A_254] {strides = array<i32>} : memref<100x128xf32, #tpu.memory_space<vmem>>, vector<1x16xf32>,
        %get3A_256 = vector.shape_cast %get3A_255 : vector<1x16xf32> to vector<16xf32>
        %add3A_257 = arith.addi %mul3A_46, %add3A_179 : i32
        %get3A_258 = arith.index_cast %add3A_257 : i32 to index
        %get3A_259 = arith.constant 80 : index
        %get3A_260 = tpu.vector_load %arg7[%get3A_258, %get3A_259] {strides = array<i32>} : memref<200x128xf32, #tpu.memory_space<vmem>>, vector<1x16xf32>,
        %get3A_261 = vector.shape_cast %get3A_260 : vector<1x16xf32> to vector<16xf32>
        %add3A_262 = arith.addf %get3A_256, %get3A_261 : vector<16xf32>
        %swap3A_263 = arith.index_cast %add3A_179 : i32 to index
        %swap3A_264 = arith.constant 80 : index
        %swap3A_265 = tpu.vector_load %arg8[%swap3A_263, %swap3A_264] {strides = array<i32>} : memref<100x128xf32, #tpu.memory_space<vmem>>, vector<1x16xf32>,
        %swap3A_266 = vector.shape_cast %swap3A_265 : vector<1x16xf32> to vector<16xf32>
        %swap3A_267 = vector.shape_cast %add3A_262 : vector<16xf32> to vector<1x16xf32>
        tpu.vector_store %arg8[%swap3A_263, %swap3A_264], %swap3A_267 {strides = array<i32>} : memref<100x128xf32, #tpu.memory_space<vmem>>, vector<1x16xf32>,
        %get3A_268 = arith.index_cast %add3A_179 : i32 to index
        %get3A_269 = arith.constant 96 : index
        %get3A_270 = tpu.vector_load %arg8[%get3A_268, %get3A_269] {strides = array<i32>} : memref<100x128xf32, #tpu.memory_space<vmem>>, vector<1x16xf32>,
        %get3A_271 = vector.shape_cast %get3A_270 : vector<1x16xf32> to vector<16xf32>
        %add3A_272 = arith.addi %mul3A_46, %add3A_179 : i32
        %get3A_273 = arith.index_cast %add3A_272 : i32 to index
        %get3A_274 = arith.constant 96 : index
        %get3A_275 = tpu.vector_load %arg7[%get3A_273, %get3A_274] {strides = array<i32>} : memref<200x128xf32, #tpu.memory_space<vmem>>, vector<1x16xf32>,
        %get3A_276 = vector.shape_cast %get3A_275 : vector<1x16xf32> to vector<16xf32>
        %add3A_277 = arith.addf %get3A_271, %get3A_276 : vector<16xf32>
        %swap3A_278 = arith.index_cast %add3A_179 : i32 to index
        %swap3A_279 = arith.constant 96 : index
        %swap3A_280 = tpu.vector_load %arg8[%swap3A_278, %swap3A_279] {strides = array<i32>} : memref<100x128xf32, #tpu.memory_space<vmem>>, vector<1x16xf32>,
        %swap3A_281 = vector.shape_cast %swap3A_280 : vector<1x16xf32> to vector<16xf32>
        %swap3A_282 = vector.shape_cast %add3A_277 : vector<16xf32> to vector<1x16xf32>
        tpu.vector_store %arg8[%swap3A_278, %swap3A_279], %swap3A_282 {strides = array<i32>} : memref<100x128xf32, #tpu.memory_space<vmem>>, vector<1x16xf32>,
        %get3A_283 = arith.index_cast %add3A_179 : i32 to index
        %get3A_284 = arith.constant 112 : index
        %get3A_285 = tpu.vector_load %arg8[%get3A_283, %get3A_284] {strides = array<i32>} : memref<100x128xf32, #tpu.memory_space<vmem>>, vector<1x16xf32>,
        %get3A_286 = vector.shape_cast %get3A_285 : vector<1x16xf32> to vector<16xf32>
        %add3A_287 = arith.addi %mul3A_46, %add3A_179 : i32
        %get3A_288 = arith.index_cast %add3A_287 : i32 to index
        %get3A_289 = arith.constant 112 : index
        %get3A_290 = tpu.vector_load %arg7[%get3A_288, %get3A_289] {strides = array<i32>} : memref<200x128xf32, #tpu.memory_space<vmem>>, vector<1x16xf32>,
        %get3A_291 = vector.shape_cast %get3A_290 : vector<1x16xf32> to vector<16xf32>
        %add3A_292 = arith.addf %get3A_286, %get3A_291 : vector<16xf32>
        %swap3A_293 = arith.index_cast %add3A_179 : i32 to index
        %swap3A_294 = arith.constant 112 : index
        %swap3A_295 = tpu.vector_load %arg8[%swap3A_293, %swap3A_294] {strides = array<i32>} : memref<100x128xf32, #tpu.memory_space<vmem>>, vector<1x16xf32>,
        %swap3A_296 = vector.shape_cast %swap3A_295 : vector<1x16xf32> to vector<16xf32>
        %swap3A_297 = vector.shape_cast %add3A_292 : vector<16xf32> to vector<1x16xf32>
        tpu.vector_store %arg8[%swap3A_293, %swap3A_294], %swap3A_297 {strides = array<i32>} : memref<100x128xf32, #tpu.memory_space<vmem>>, vector<1x16xf32>,
      }
      %scan3A_51 = arith.constant 100 : i32
      %mul3A_52 = arith.constant 100 : i32
      %mul3A_53 = arith.muli %add3A_37, %mul3A_52 : i32
      %add3A_54 = arith.addi %mul3A_2, %mul3A_53 : i32
      %dma_start3A_55 = arith.constant 0 : i32
      %dma_start3A_56 = tpu.memref_slice %arg5[%add3A_54, %dma_start3A_55] : memref<819200x128xf32, #tpu.memory_space<hbm>> -> memref<100x128xf32, #tpu.memory_space<hbm>>
      %dma_start3A_57 = arith.constant 0 : i32
      %dma_start3A_58 = tpu.memref_slice %arg5[%add3A_54, %dma_start3A_57] : memref<819200x128xf32, #tpu.memory_space<hbm>> -> memref<100x128xf32, #tpu.memory_space<hbm>>
      tpu.enqueue_dma source(%arg8 : memref<100x128xf32, #tpu.memory_space<vmem>>) target(%dma_start3A_58 : memref<100x128xf32, #tpu.memory_space<hbm>>) target_semaphore(%arg16 : memref<!tpu.dma_semaphore, #tpu.memory_space<semaphore_mem>>)
      %ge3A = arith.constant 2 : i32
      %ge3A_59 = arith.cmpi sge, %add3A_37, %ge3A : i32
      %convert_element_type3A = arith.extui %ge3A_59 : i1 to i32
      %cond3A = arith.constant 0 : i32
      %cond3A_60 = arith.cmpi ne, %convert_element_type3A, %cond3A : i32
      scf.if %cond3A_60 {
        %sub3A = arith.constant 2 : i32
        %sub3A_175 = arith.subi %add3A_37, %sub3A : i32
        %mul3A_176 = arith.constant 100 : i32
        %mul3A_177 = arith.muli %sub3A_175, %mul3A_176 : i32
        %add3A_178 = arith.addi %mul3A_2, %mul3A_177 : i32
        %dma_wait3A_179 = arith.constant 0 : i32
        %dma_wait3A_180 = tpu.memref_slice %arg5[%add3A_178, %dma_wait3A_179] : memref<819200x128xf32, #tpu.memory_space<hbm>> -> memref<100x128xf32, #tpu.memory_space<hbm>>
        %dma_wait3A_181 = arith.constant 0 : i32
        %dma_wait3A_182 = tpu.memref_slice %arg5[%add3A_178, %dma_wait3A_181] : memref<819200x128xf32, #tpu.memory_space<hbm>> -> memref<100x128xf32, #tpu.memory_space<hbm>>
        tpu.wait_dma2 semaphore(%arg18 : memref<!tpu.dma_semaphore, #tpu.memory_space<semaphore_mem>>) src(%arg10 : memref<100x128xf32, #tpu.memory_space<vmem>>) dst(%dma_wait3A_182 : memref<100x128xf32, #tpu.memory_space<hbm>>)
      } else {
      }
      %add3A_61 = arith.constant 2 : i32
      %add3A_62 = arith.addi %add3A_37, %add3A_61 : i32
      %lt3A = arith.constant 256 : i32
      %lt3A_63 = arith.cmpi slt, %add3A_62, %lt3A : i32
      %convert_element_type3A_64 = arith.extui %lt3A_63 : i1 to i32
      %cond3A_65 = arith.constant 0 : i32
      %cond3A_66 = arith.cmpi ne, %convert_element_type3A_64, %cond3A_65 : i32
      scf.if %cond3A_66 {
        %add3A_175 = arith.constant 2 : i32
        %add3A_176 = arith.addi %add3A_37, %add3A_175 : i32
        %dma_start3A_177 = arith.constant 0 : i32
        %dma_start3A_178 = tpu.memref_slice %arg6[%add3A_176, %dma_start3A_177] : memref<256x100xi32, #tpu.memory_space<vmem>> -> memref<1x100xi32, #tpu.memory_space<vmem>>
        %dma_start3A_179 = tpu.memref_squeeze %dma_start3A_178 : memref<1x100xi32, #tpu.memory_space<vmem>> -> memref<100xi32, #tpu.memory_space<vmem>>
        %dma_start3A_180 = arith.constant 0 : i32
        %dma_start3A_181 = arith.constant 0 : i32
        %dma_start3A_182 = tpu.memref_slice %arg2[%dma_start3A_180, %dma_start3A_181] : memref<100000x128xf32, #tpu.memory_space<hbm>> -> memref<100000x128xf32, #tpu.memory_space<hbm>>
        tpu.enqueue_indirect_dma source(%dma_start3A_182 : memref<100000x128xf32, #tpu.memory_space<hbm>>) target(%arg10 : memref<100x128xf32, #tpu.memory_space<vmem>>) offsets(%dma_start3A_179 : memref<100xi32, #tpu.memory_space<vmem>>) semaphore(%arg14 : memref<!tpu.dma_semaphore, #tpu.memory_space<semaphore_mem>>)
      } else {
      }
      %add3A_67 = arith.constant 1 : i32
      %add3A_68 = arith.addi %add3A_35, %add3A_67 : i32
      %dma_wait3A_69 = arith.constant 0 : i32
      %dma_wait3A_70 = tpu.memref_slice %arg6[%add3A_68, %dma_wait3A_69] : memref<256x100xi32, #tpu.memory_space<vmem>> -> memref<1x100xi32, #tpu.memory_space<vmem>>
      %dma_wait3A_71 = tpu.memref_squeeze %dma_wait3A_70 : memref<1x100xi32, #tpu.memory_space<vmem>> -> memref<100xi32, #tpu.memory_space<vmem>>
      %dma_wait3A_72 = arith.constant 0 : i32
      %dma_wait3A_73 = arith.constant 0 : i32
      %dma_wait3A_74 = tpu.memref_slice %arg2[%dma_wait3A_72, %dma_wait3A_73] : memref<100000x128xf32, #tpu.memory_space<hbm>> -> memref<100000x128xf32, #tpu.memory_space<hbm>>
      tpu.wait_indirect_dma semaphore(%arg13 : memref<!tpu.dma_semaphore, #tpu.memory_space<semaphore_mem>>) src(%dma_wait3A_74 : memref<100000x128xf32, #tpu.memory_space<hbm>>) dst(%arg9 : memref<100x128xf32, #tpu.memory_space<vmem>>)
      %rem3A_75 = arith.constant 2 : i32
      %rem3A_76 = arith.remsi %add3A_68, %rem3A_75 : i32
      %mul3A_77 = arith.constant 100 : i32
      %mul3A_78 = arith.muli %rem3A_76, %mul3A_77 : i32
      %scan3A_79 = arith.constant 0 : i32
      %scan3A_80 = arith.constant 100 : i32
      %scan3A_81 = arith.addi %scan3A_79, %scan3A_80 : i32
      %scan3A_82 = arith.constant 1 : i32
      scf.for %scan3A_175 = %scan3A_79 to %scan3A_81 step %scan3A_82  : i32 {
        %mul3A_176 = arith.constant 1 : i32
        %mul3A_177 = arith.muli %scan3A_175, %mul3A_176 : i32
        %add3A_178 = arith.constant 0 : i32
        %add3A_179 = arith.addi %add3A_178, %mul3A_177 : i32
        %get3A = arith.index_cast %add3A_179 : i32 to index
        %get3A_180 = arith.constant 0 : index
        %get3A_181 = tpu.vector_load %arg9[%get3A, %get3A_180] {strides = array<i32>} : memref<100x128xf32, #tpu.memory_space<vmem>>, vector<1x16xf32>,
        %get3A_182 = vector.shape_cast %get3A_181 : vector<1x16xf32> to vector<16xf32>
        %add3A_183 = arith.addi %mul3A_78, %add3A_179 : i32
        %get3A_184 = arith.index_cast %add3A_183 : i32 to index
        %get3A_185 = arith.constant 0 : index
        %get3A_186 = tpu.vector_load %arg7[%get3A_184, %get3A_185] {strides = array<i32>} : memref<200x128xf32, #tpu.memory_space<vmem>>, vector<1x16xf32>,
        %get3A_187 = vector.shape_cast %get3A_186 : vector<1x16xf32> to vector<16xf32>
        %add3A_188 = arith.addf %get3A_182, %get3A_187 : vector<16xf32>
        %swap3A = arith.index_cast %add3A_179 : i32 to index
        %swap3A_189 = arith.constant 0 : index
        %swap3A_190 = tpu.vector_load %arg9[%swap3A, %swap3A_189] {strides = array<i32>} : memref<100x128xf32, #tpu.memory_space<vmem>>, vector<1x16xf32>,
        %swap3A_191 = vector.shape_cast %swap3A_190 : vector<1x16xf32> to vector<16xf32>
        %swap3A_192 = vector.shape_cast %add3A_188 : vector<16xf32> to vector<1x16xf32>
        tpu.vector_store %arg9[%swap3A, %swap3A_189], %swap3A_192 {strides = array<i32>} : memref<100x128xf32, #tpu.memory_space<vmem>>, vector<1x16xf32>,
        %get3A_193 = arith.index_cast %add3A_179 : i32 to index
        %get3A_194 = arith.constant 16 : index
        %get3A_195 = tpu.vector_load %arg9[%get3A_193, %get3A_194] {strides = array<i32>} : memref<100x128xf32, #tpu.memory_space<vmem>>, vector<1x16xf32>,
        %get3A_196 = vector.shape_cast %get3A_195 : vector<1x16xf32> to vector<16xf32>
        %add3A_197 = arith.addi %mul3A_78, %add3A_179 : i32
        %get3A_198 = arith.index_cast %add3A_197 : i32 to index
        %get3A_199 = arith.constant 16 : index
        %get3A_200 = tpu.vector_load %arg7[%get3A_198, %get3A_199] {strides = array<i32>} : memref<200x128xf32, #tpu.memory_space<vmem>>, vector<1x16xf32>,
        %get3A_201 = vector.shape_cast %get3A_200 : vector<1x16xf32> to vector<16xf32>
        %add3A_202 = arith.addf %get3A_196, %get3A_201 : vector<16xf32>
        %swap3A_203 = arith.index_cast %add3A_179 : i32 to index
        %swap3A_204 = arith.constant 16 : index
        %swap3A_205 = tpu.vector_load %arg9[%swap3A_203, %swap3A_204] {strides = array<i32>} : memref<100x128xf32, #tpu.memory_space<vmem>>, vector<1x16xf32>,
        %swap3A_206 = vector.shape_cast %swap3A_205 : vector<1x16xf32> to vector<16xf32>
        %swap3A_207 = vector.shape_cast %add3A_202 : vector<16xf32> to vector<1x16xf32>
        tpu.vector_store %arg9[%swap3A_203, %swap3A_204], %swap3A_207 {strides = array<i32>} : memref<100x128xf32, #tpu.memory_space<vmem>>, vector<1x16xf32>,
        %get3A_208 = arith.index_cast %add3A_179 : i32 to index
        %get3A_209 = arith.constant 32 : index
        %get3A_210 = tpu.vector_load %arg9[%get3A_208, %get3A_209] {strides = array<i32>} : memref<100x128xf32, #tpu.memory_space<vmem>>, vector<1x16xf32>,
        %get3A_211 = vector.shape_cast %get3A_210 : vector<1x16xf32> to vector<16xf32>
        %add3A_212 = arith.addi %mul3A_78, %add3A_179 : i32
        %get3A_213 = arith.index_cast %add3A_212 : i32 to index
        %get3A_214 = arith.constant 32 : index
        %get3A_215 = tpu.vector_load %arg7[%get3A_213, %get3A_214] {strides = array<i32>} : memref<200x128xf32, #tpu.memory_space<vmem>>, vector<1x16xf32>,
        %get3A_216 = vector.shape_cast %get3A_215 : vector<1x16xf32> to vector<16xf32>
        %add3A_217 = arith.addf %get3A_211, %get3A_216 : vector<16xf32>
        %swap3A_218 = arith.index_cast %add3A_179 : i32 to index
        %swap3A_219 = arith.constant 32 : index
        %swap3A_220 = tpu.vector_load %arg9[%swap3A_218, %swap3A_219] {strides = array<i32>} : memref<100x128xf32, #tpu.memory_space<vmem>>, vector<1x16xf32>,
        %swap3A_221 = vector.shape_cast %swap3A_220 : vector<1x16xf32> to vector<16xf32>
        %swap3A_222 = vector.shape_cast %add3A_217 : vector<16xf32> to vector<1x16xf32>
        tpu.vector_store %arg9[%swap3A_218, %swap3A_219], %swap3A_222 {strides = array<i32>} : memref<100x128xf32, #tpu.memory_space<vmem>>, vector<1x16xf32>,
        %get3A_223 = arith.index_cast %add3A_179 : i32 to index
        %get3A_224 = arith.constant 48 : index
        %get3A_225 = tpu.vector_load %arg9[%get3A_223, %get3A_224] {strides = array<i32>} : memref<100x128xf32, #tpu.memory_space<vmem>>, vector<1x16xf32>,
        %get3A_226 = vector.shape_cast %get3A_225 : vector<1x16xf32> to vector<16xf32>
        %add3A_227 = arith.addi %mul3A_78, %add3A_179 : i32
        %get3A_228 = arith.index_cast %add3A_227 : i32 to index
        %get3A_229 = arith.constant 48 : index
        %get3A_230 = tpu.vector_load %arg7[%get3A_228, %get3A_229] {strides = array<i32>} : memref<200x128xf32, #tpu.memory_space<vmem>>, vector<1x16xf32>,
        %get3A_231 = vector.shape_cast %get3A_230 : vector<1x16xf32> to vector<16xf32>
        %add3A_232 = arith.addf %get3A_226, %get3A_231 : vector<16xf32>
        %swap3A_233 = arith.index_cast %add3A_179 : i32 to index
        %swap3A_234 = arith.constant 48 : index
        %swap3A_235 = tpu.vector_load %arg9[%swap3A_233, %swap3A_234] {strides = array<i32>} : memref<100x128xf32, #tpu.memory_space<vmem>>, vector<1x16xf32>,
        %swap3A_236 = vector.shape_cast %swap3A_235 : vector<1x16xf32> to vector<16xf32>
        %swap3A_237 = vector.shape_cast %add3A_232 : vector<16xf32> to vector<1x16xf32>
        tpu.vector_store %arg9[%swap3A_233, %swap3A_234], %swap3A_237 {strides = array<i32>} : memref<100x128xf32, #tpu.memory_space<vmem>>, vector<1x16xf32>,
        %get3A_238 = arith.index_cast %add3A_179 : i32 to index
        %get3A_239 = arith.constant 64 : index
        %get3A_240 = tpu.vector_load %arg9[%get3A_238, %get3A_239] {strides = array<i32>} : memref<100x128xf32, #tpu.memory_space<vmem>>, vector<1x16xf32>,
        %get3A_241 = vector.shape_cast %get3A_240 : vector<1x16xf32> to vector<16xf32>
        %add3A_242 = arith.addi %mul3A_78, %add3A_179 : i32
        %get3A_243 = arith.index_cast %add3A_242 : i32 to index
        %get3A_244 = arith.constant 64 : index
        %get3A_245 = tpu.vector_load %arg7[%get3A_243, %get3A_244] {strides = array<i32>} : memref<200x128xf32, #tpu.memory_space<vmem>>, vector<1x16xf32>,
        %get3A_246 = vector.shape_cast %get3A_245 : vector<1x16xf32> to vector<16xf32>
        %add3A_247 = arith.addf %get3A_241, %get3A_246 : vector<16xf32>
        %swap3A_248 = arith.index_cast %add3A_179 : i32 to index
        %swap3A_249 = arith.constant 64 : index
        %swap3A_250 = tpu.vector_load %arg9[%swap3A_248, %swap3A_249] {strides = array<i32>} : memref<100x128xf32, #tpu.memory_space<vmem>>, vector<1x16xf32>,
        %swap3A_251 = vector.shape_cast %swap3A_250 : vector<1x16xf32> to vector<16xf32>
        %swap3A_252 = vector.shape_cast %add3A_247 : vector<16xf32> to vector<1x16xf32>
        tpu.vector_store %arg9[%swap3A_248, %swap3A_249], %swap3A_252 {strides = array<i32>} : memref<100x128xf32, #tpu.memory_space<vmem>>, vector<1x16xf32>,
        %get3A_253 = arith.index_cast %add3A_179 : i32 to index
        %get3A_254 = arith.constant 80 : index
        %get3A_255 = tpu.vector_load %arg9[%get3A_253, %get3A_254] {strides = array<i32>} : memref<100x128xf32, #tpu.memory_space<vmem>>, vector<1x16xf32>,
        %get3A_256 = vector.shape_cast %get3A_255 : vector<1x16xf32> to vector<16xf32>
        %add3A_257 = arith.addi %mul3A_78, %add3A_179 : i32
        %get3A_258 = arith.index_cast %add3A_257 : i32 to index
        %get3A_259 = arith.constant 80 : index
        %get3A_260 = tpu.vector_load %arg7[%get3A_258, %get3A_259] {strides = array<i32>} : memref<200x128xf32, #tpu.memory_space<vmem>>, vector<1x16xf32>,
        %get3A_261 = vector.shape_cast %get3A_260 : vector<1x16xf32> to vector<16xf32>
        %add3A_262 = arith.addf %get3A_256, %get3A_261 : vector<16xf32>
        %swap3A_263 = arith.index_cast %add3A_179 : i32 to index
        %swap3A_264 = arith.constant 80 : index
        %swap3A_265 = tpu.vector_load %arg9[%swap3A_263, %swap3A_264] {strides = array<i32>} : memref<100x128xf32, #tpu.memory_space<vmem>>, vector<1x16xf32>,
        %swap3A_266 = vector.shape_cast %swap3A_265 : vector<1x16xf32> to vector<16xf32>
        %swap3A_267 = vector.shape_cast %add3A_262 : vector<16xf32> to vector<1x16xf32>
        tpu.vector_store %arg9[%swap3A_263, %swap3A_264], %swap3A_267 {strides = array<i32>} : memref<100x128xf32, #tpu.memory_space<vmem>>, vector<1x16xf32>,
        %get3A_268 = arith.index_cast %add3A_179 : i32 to index
        %get3A_269 = arith.constant 96 : index
        %get3A_270 = tpu.vector_load %arg9[%get3A_268, %get3A_269] {strides = array<i32>} : memref<100x128xf32, #tpu.memory_space<vmem>>, vector<1x16xf32>,
        %get3A_271 = vector.shape_cast %get3A_270 : vector<1x16xf32> to vector<16xf32>
        %add3A_272 = arith.addi %mul3A_78, %add3A_179 : i32
        %get3A_273 = arith.index_cast %add3A_272 : i32 to index
        %get3A_274 = arith.constant 96 : index
        %get3A_275 = tpu.vector_load %arg7[%get3A_273, %get3A_274] {strides = array<i32>} : memref<200x128xf32, #tpu.memory_space<vmem>>, vector<1x16xf32>,
        %get3A_276 = vector.shape_cast %get3A_275 : vector<1x16xf32> to vector<16xf32>
        %add3A_277 = arith.addf %get3A_271, %get3A_276 : vector<16xf32>
        %swap3A_278 = arith.index_cast %add3A_179 : i32 to index
        %swap3A_279 = arith.constant 96 : index
        %swap3A_280 = tpu.vector_load %arg9[%swap3A_278, %swap3A_279] {strides = array<i32>} : memref<100x128xf32, #tpu.memory_space<vmem>>, vector<1x16xf32>,
        %swap3A_281 = vector.shape_cast %swap3A_280 : vector<1x16xf32> to vector<16xf32>
        %swap3A_282 = vector.shape_cast %add3A_277 : vector<16xf32> to vector<1x16xf32>
        tpu.vector_store %arg9[%swap3A_278, %swap3A_279], %swap3A_282 {strides = array<i32>} : memref<100x128xf32, #tpu.memory_space<vmem>>, vector<1x16xf32>,
        %get3A_283 = arith.index_cast %add3A_179 : i32 to index
        %get3A_284 = arith.constant 112 : index
        %get3A_285 = tpu.vector_load %arg9[%get3A_283, %get3A_284] {strides = array<i32>} : memref<100x128xf32, #tpu.memory_space<vmem>>, vector<1x16xf32>,
        %get3A_286 = vector.shape_cast %get3A_285 : vector<1x16xf32> to vector<16xf32>
        %add3A_287 = arith.addi %mul3A_78, %add3A_179 : i32
        %get3A_288 = arith.index_cast %add3A_287 : i32 to index
        %get3A_289 = arith.constant 112 : index
        %get3A_290 = tpu.vector_load %arg7[%get3A_288, %get3A_289] {strides = array<i32>} : memref<200x128xf32, #tpu.memory_space<vmem>>, vector<1x16xf32>,
        %get3A_291 = vector.shape_cast %get3A_290 : vector<1x16xf32> to vector<16xf32>
        %add3A_292 = arith.addf %get3A_286, %get3A_291 : vector<16xf32>
        %swap3A_293 = arith.index_cast %add3A_179 : i32 to index
        %swap3A_294 = arith.constant 112 : index
        %swap3A_295 = tpu.vector_load %arg9[%swap3A_293, %swap3A_294] {strides = array<i32>} : memref<100x128xf32, #tpu.memory_space<vmem>>, vector<1x16xf32>,
        %swap3A_296 = vector.shape_cast %swap3A_295 : vector<1x16xf32> to vector<16xf32>
        %swap3A_297 = vector.shape_cast %add3A_292 : vector<16xf32> to vector<1x16xf32>
        tpu.vector_store %arg9[%swap3A_293, %swap3A_294], %swap3A_297 {strides = array<i32>} : memref<100x128xf32, #tpu.memory_space<vmem>>, vector<1x16xf32>,
      }
      %scan3A_83 = arith.constant 100 : i32
      %mul3A_84 = arith.constant 100 : i32
      %mul3A_85 = arith.muli %add3A_68, %mul3A_84 : i32
      %add3A_86 = arith.addi %mul3A_2, %mul3A_85 : i32
      %dma_start3A_87 = arith.constant 0 : i32
      %dma_start3A_88 = tpu.memref_slice %arg5[%add3A_86, %dma_start3A_87] : memref<819200x128xf32, #tpu.memory_space<hbm>> -> memref<100x128xf32, #tpu.memory_space<hbm>>
      %dma_start3A_89 = arith.constant 0 : i32
      %dma_start3A_90 = tpu.memref_slice %arg5[%add3A_86, %dma_start3A_89] : memref<819200x128xf32, #tpu.memory_space<hbm>> -> memref<100x128xf32, #tpu.memory_space<hbm>>
      tpu.enqueue_dma source(%arg9 : memref<100x128xf32, #tpu.memory_space<vmem>>) target(%dma_start3A_90 : memref<100x128xf32, #tpu.memory_space<hbm>>) target_semaphore(%arg17 : memref<!tpu.dma_semaphore, #tpu.memory_space<semaphore_mem>>)
      %ge3A_91 = arith.constant 2 : i32
      %ge3A_92 = arith.cmpi sge, %add3A_68, %ge3A_91 : i32
      %convert_element_type3A_93 = arith.extui %ge3A_92 : i1 to i32
      %cond3A_94 = arith.constant 0 : i32
      %cond3A_95 = arith.cmpi ne, %convert_element_type3A_93, %cond3A_94 : i32
      scf.if %cond3A_95 {
        %sub3A = arith.constant 2 : i32
        %sub3A_175 = arith.subi %add3A_68, %sub3A : i32
        %mul3A_176 = arith.constant 100 : i32
        %mul3A_177 = arith.muli %sub3A_175, %mul3A_176 : i32
        %add3A_178 = arith.addi %mul3A_2, %mul3A_177 : i32
        %dma_wait3A_179 = arith.constant 0 : i32
        %dma_wait3A_180 = tpu.memref_slice %arg5[%add3A_178, %dma_wait3A_179] : memref<819200x128xf32, #tpu.memory_space<hbm>> -> memref<100x128xf32, #tpu.memory_space<hbm>>
        %dma_wait3A_181 = arith.constant 0 : i32
        %dma_wait3A_182 = tpu.memref_slice %arg5[%add3A_178, %dma_wait3A_181] : memref<819200x128xf32, #tpu.memory_space<hbm>> -> memref<100x128xf32, #tpu.memory_space<hbm>>
        tpu.wait_dma2 semaphore(%arg19 : memref<!tpu.dma_semaphore, #tpu.memory_space<semaphore_mem>>) src(%arg11 : memref<100x128xf32, #tpu.memory_space<vmem>>) dst(%dma_wait3A_182 : memref<100x128xf32, #tpu.memory_space<hbm>>)
      } else {
      }
      %add3A_96 = arith.constant 2 : i32
      %add3A_97 = arith.addi %add3A_68, %add3A_96 : i32
      %lt3A_98 = arith.constant 256 : i32
      %lt3A_99 = arith.cmpi slt, %add3A_97, %lt3A_98 : i32
      %convert_element_type3A_100 = arith.extui %lt3A_99 : i1 to i32
      %cond3A_101 = arith.constant 0 : i32
      %cond3A_102 = arith.cmpi ne, %convert_element_type3A_100, %cond3A_101 : i32
      scf.if %cond3A_102 {
        %add3A_175 = arith.constant 2 : i32
        %add3A_176 = arith.addi %add3A_68, %add3A_175 : i32
        %dma_start3A_177 = arith.constant 0 : i32
        %dma_start3A_178 = tpu.memref_slice %arg6[%add3A_176, %dma_start3A_177] : memref<256x100xi32, #tpu.memory_space<vmem>> -> memref<1x100xi32, #tpu.memory_space<vmem>>
        %dma_start3A_179 = tpu.memref_squeeze %dma_start3A_178 : memref<1x100xi32, #tpu.memory_space<vmem>> -> memref<100xi32, #tpu.memory_space<vmem>>
        %dma_start3A_180 = arith.constant 0 : i32
        %dma_start3A_181 = arith.constant 0 : i32
        %dma_start3A_182 = tpu.memref_slice %arg2[%dma_start3A_180, %dma_start3A_181] : memref<100000x128xf32, #tpu.memory_space<hbm>> -> memref<100000x128xf32, #tpu.memory_space<hbm>>
        tpu.enqueue_indirect_dma source(%dma_start3A_182 : memref<100000x128xf32, #tpu.memory_space<hbm>>) target(%arg11 : memref<100x128xf32, #tpu.memory_space<vmem>>) offsets(%dma_start3A_179 : memref<100xi32, #tpu.memory_space<vmem>>) semaphore(%arg15 : memref<!tpu.dma_semaphore, #tpu.memory_space<semaphore_mem>>)
      } else {
      }
      %add3A_103 = arith.constant 2 : i32
      %add3A_104 = arith.addi %add3A_35, %add3A_103 : i32
      %dma_wait3A_105 = arith.constant 0 : i32
      %dma_wait3A_106 = tpu.memref_slice %arg6[%add3A_104, %dma_wait3A_105] : memref<256x100xi32, #tpu.memory_space<vmem>> -> memref<1x100xi32, #tpu.memory_space<vmem>>
      %dma_wait3A_107 = tpu.memref_squeeze %dma_wait3A_106 : memref<1x100xi32, #tpu.memory_space<vmem>> -> memref<100xi32, #tpu.memory_space<vmem>>
      %dma_wait3A_108 = arith.constant 0 : i32
      %dma_wait3A_109 = arith.constant 0 : i32
      %dma_wait3A_110 = tpu.memref_slice %arg2[%dma_wait3A_108, %dma_wait3A_109] : memref<100000x128xf32, #tpu.memory_space<hbm>> -> memref<100000x128xf32, #tpu.memory_space<hbm>>
      tpu.wait_indirect_dma semaphore(%arg14 : memref<!tpu.dma_semaphore, #tpu.memory_space<semaphore_mem>>) src(%dma_wait3A_110 : memref<100000x128xf32, #tpu.memory_space<hbm>>) dst(%arg10 : memref<100x128xf32, #tpu.memory_space<vmem>>)
      %rem3A_111 = arith.constant 2 : i32
      %rem3A_112 = arith.remsi %add3A_104, %rem3A_111 : i32
      %mul3A_113 = arith.constant 100 : i32
      %mul3A_114 = arith.muli %rem3A_112, %mul3A_113 : i32
      %scan3A_115 = arith.constant 0 : i32
      %scan3A_116 = arith.constant 100 : i32
      %scan3A_117 = arith.addi %scan3A_115, %scan3A_116 : i32
      %scan3A_118 = arith.constant 1 : i32
      scf.for %scan3A_175 = %scan3A_115 to %scan3A_117 step %scan3A_118  : i32 {
        %mul3A_176 = arith.constant 1 : i32
        %mul3A_177 = arith.muli %scan3A_175, %mul3A_176 : i32
        %add3A_178 = arith.constant 0 : i32
        %add3A_179 = arith.addi %add3A_178, %mul3A_177 : i32
        %get3A = arith.index_cast %add3A_179 : i32 to index
        %get3A_180 = arith.constant 0 : index
        %get3A_181 = tpu.vector_load %arg10[%get3A, %get3A_180] {strides = array<i32>} : memref<100x128xf32, #tpu.memory_space<vmem>>, vector<1x16xf32>,
        %get3A_182 = vector.shape_cast %get3A_181 : vector<1x16xf32> to vector<16xf32>
        %add3A_183 = arith.addi %mul3A_114, %add3A_179 : i32
        %get3A_184 = arith.index_cast %add3A_183 : i32 to index
        %get3A_185 = arith.constant 0 : index
        %get3A_186 = tpu.vector_load %arg7[%get3A_184, %get3A_185] {strides = array<i32>} : memref<200x128xf32, #tpu.memory_space<vmem>>, vector<1x16xf32>,
        %get3A_187 = vector.shape_cast %get3A_186 : vector<1x16xf32> to vector<16xf32>
        %add3A_188 = arith.addf %get3A_182, %get3A_187 : vector<16xf32>
        %swap3A = arith.index_cast %add3A_179 : i32 to index
        %swap3A_189 = arith.constant 0 : index
        %swap3A_190 = tpu.vector_load %arg10[%swap3A, %swap3A_189] {strides = array<i32>} : memref<100x128xf32, #tpu.memory_space<vmem>>, vector<1x16xf32>,
        %swap3A_191 = vector.shape_cast %swap3A_190 : vector<1x16xf32> to vector<16xf32>
        %swap3A_192 = vector.shape_cast %add3A_188 : vector<16xf32> to vector<1x16xf32>
        tpu.vector_store %arg10[%swap3A, %swap3A_189], %swap3A_192 {strides = array<i32>} : memref<100x128xf32, #tpu.memory_space<vmem>>, vector<1x16xf32>,
        %get3A_193 = arith.index_cast %add3A_179 : i32 to index
        %get3A_194 = arith.constant 16 : index
        %get3A_195 = tpu.vector_load %arg10[%get3A_193, %get3A_194] {strides = array<i32>} : memref<100x128xf32, #tpu.memory_space<vmem>>, vector<1x16xf32>,
        %get3A_196 = vector.shape_cast %get3A_195 : vector<1x16xf32> to vector<16xf32>
        %add3A_197 = arith.addi %mul3A_114, %add3A_179 : i32
        %get3A_198 = arith.index_cast %add3A_197 : i32 to index
        %get3A_199 = arith.constant 16 : index
        %get3A_200 = tpu.vector_load %arg7[%get3A_198, %get3A_199] {strides = array<i32>} : memref<200x128xf32, #tpu.memory_space<vmem>>, vector<1x16xf32>,
        %get3A_201 = vector.shape_cast %get3A_200 : vector<1x16xf32> to vector<16xf32>
        %add3A_202 = arith.addf %get3A_196, %get3A_201 : vector<16xf32>
        %swap3A_203 = arith.index_cast %add3A_179 : i32 to index
        %swap3A_204 = arith.constant 16 : index
        %swap3A_205 = tpu.vector_load %arg10[%swap3A_203, %swap3A_204] {strides = array<i32>} : memref<100x128xf32, #tpu.memory_space<vmem>>, vector<1x16xf32>,
        %swap3A_206 = vector.shape_cast %swap3A_205 : vector<1x16xf32> to vector<16xf32>
        %swap3A_207 = vector.shape_cast %add3A_202 : vector<16xf32> to vector<1x16xf32>
        tpu.vector_store %arg10[%swap3A_203, %swap3A_204], %swap3A_207 {strides = array<i32>} : memref<100x128xf32, #tpu.memory_space<vmem>>, vector<1x16xf32>,
        %get3A_208 = arith.index_cast %add3A_179 : i32 to index
        %get3A_209 = arith.constant 32 : index
        %get3A_210 = tpu.vector_load %arg10[%get3A_208, %get3A_209] {strides = array<i32>} : memref<100x128xf32, #tpu.memory_space<vmem>>, vector<1x16xf32>,
        %get3A_211 = vector.shape_cast %get3A_210 : vector<1x16xf32> to vector<16xf32>
        %add3A_212 = arith.addi %mul3A_114, %add3A_179 : i32
        %get3A_213 = arith.index_cast %add3A_212 : i32 to index
        %get3A_214 = arith.constant 32 : index
        %get3A_215 = tpu.vector_load %arg7[%get3A_213, %get3A_214] {strides = array<i32>} : memref<200x128xf32, #tpu.memory_space<vmem>>, vector<1x16xf32>,
        %get3A_216 = vector.shape_cast %get3A_215 : vector<1x16xf32> to vector<16xf32>
        %add3A_217 = arith.addf %get3A_211, %get3A_216 : vector<16xf32>
        %swap3A_218 = arith.index_cast %add3A_179 : i32 to index
        %swap3A_219 = arith.constant 32 : index
        %swap3A_220 = tpu.vector_load %arg10[%swap3A_218, %swap3A_219] {strides = array<i32>} : memref<100x128xf32, #tpu.memory_space<vmem>>, vector<1x16xf32>,
        %swap3A_221 = vector.shape_cast %swap3A_220 : vector<1x16xf32> to vector<16xf32>
        %swap3A_222 = vector.shape_cast %add3A_217 : vector<16xf32> to vector<1x16xf32>
        tpu.vector_store %arg10[%swap3A_218, %swap3A_219], %swap3A_222 {strides = array<i32>} : memref<100x128xf32, #tpu.memory_space<vmem>>, vector<1x16xf32>,
        %get3A_223 = arith.index_cast %add3A_179 : i32 to index
        %get3A_224 = arith.constant 48 : index
        %get3A_225 = tpu.vector_load %arg10[%get3A_223, %get3A_224] {strides = array<i32>} : memref<100x128xf32, #tpu.memory_space<vmem>>, vector<1x16xf32>,
        %get3A_226 = vector.shape_cast %get3A_225 : vector<1x16xf32> to vector<16xf32>
        %add3A_227 = arith.addi %mul3A_114, %add3A_179 : i32
        %get3A_228 = arith.index_cast %add3A_227 : i32 to index
        %get3A_229 = arith.constant 48 : index
        %get3A_230 = tpu.vector_load %arg7[%get3A_228, %get3A_229] {strides = array<i32>} : memref<200x128xf32, #tpu.memory_space<vmem>>, vector<1x16xf32>,
        %get3A_231 = vector.shape_cast %get3A_230 : vector<1x16xf32> to vector<16xf32>
        %add3A_232 = arith.addf %get3A_226, %get3A_231 : vector<16xf32>
        %swap3A_233 = arith.index_cast %add3A_179 : i32 to index
        %swap3A_234 = arith.constant 48 : index
        %swap3A_235 = tpu.vector_load %arg10[%swap3A_233, %swap3A_234] {strides = array<i32>} : memref<100x128xf32, #tpu.memory_space<vmem>>, vector<1x16xf32>,
        %swap3A_236 = vector.shape_cast %swap3A_235 : vector<1x16xf32> to vector<16xf32>
        %swap3A_237 = vector.shape_cast %add3A_232 : vector<16xf32> to vector<1x16xf32>
        tpu.vector_store %arg10[%swap3A_233, %swap3A_234], %swap3A_237 {strides = array<i32>} : memref<100x128xf32, #tpu.memory_space<vmem>>, vector<1x16xf32>,
        %get3A_238 = arith.index_cast %add3A_179 : i32 to index
        %get3A_239 = arith.constant 64 : index
        %get3A_240 = tpu.vector_load %arg10[%get3A_238, %get3A_239] {strides = array<i32>} : memref<100x128xf32, #tpu.memory_space<vmem>>, vector<1x16xf32>,
        %get3A_241 = vector.shape_cast %get3A_240 : vector<1x16xf32> to vector<16xf32>
        %add3A_242 = arith.addi %mul3A_114, %add3A_179 : i32
        %get3A_243 = arith.index_cast %add3A_242 : i32 to index
        %get3A_244 = arith.constant 64 : index
        %get3A_245 = tpu.vector_load %arg7[%get3A_243, %get3A_244] {strides = array<i32>} : memref<200x128xf32, #tpu.memory_space<vmem>>, vector<1x16xf32>,
        %get3A_246 = vector.shape_cast %get3A_245 : vector<1x16xf32> to vector<16xf32>
        %add3A_247 = arith.addf %get3A_241, %get3A_246 : vector<16xf32>
        %swap3A_248 = arith.index_cast %add3A_179 : i32 to index
        %swap3A_249 = arith.constant 64 : index
        %swap3A_250 = tpu.vector_load %arg10[%swap3A_248, %swap3A_249] {strides = array<i32>} : memref<100x128xf32, #tpu.memory_space<vmem>>, vector<1x16xf32>,
        %swap3A_251 = vector.shape_cast %swap3A_250 : vector<1x16xf32> to vector<16xf32>
        %swap3A_252 = vector.shape_cast %add3A_247 : vector<16xf32> to vector<1x16xf32>
        tpu.vector_store %arg10[%swap3A_248, %swap3A_249], %swap3A_252 {strides = array<i32>} : memref<100x128xf32, #tpu.memory_space<vmem>>, vector<1x16xf32>,
        %get3A_253 = arith.index_cast %add3A_179 : i32 to index
        %get3A_254 = arith.constant 80 : index
        %get3A_255 = tpu.vector_load %arg10[%get3A_253, %get3A_254] {strides = array<i32>} : memref<100x128xf32, #tpu.memory_space<vmem>>, vector<1x16xf32>,
        %get3A_256 = vector.shape_cast %get3A_255 : vector<1x16xf32> to vector<16xf32>
        %add3A_257 = arith.addi %mul3A_114, %add3A_179 : i32
        %get3A_258 = arith.index_cast %add3A_257 : i32 to index
        %get3A_259 = arith.constant 80 : index
        %get3A_260 = tpu.vector_load %arg7[%get3A_258, %get3A_259] {strides = array<i32>} : memref<200x128xf32, #tpu.memory_space<vmem>>, vector<1x16xf32>,
        %get3A_261 = vector.shape_cast %get3A_260 : vector<1x16xf32> to vector<16xf32>
        %add3A_262 = arith.addf %get3A_256, %get3A_261 : vector<16xf32>
        %swap3A_263 = arith.index_cast %add3A_179 : i32 to index
        %swap3A_264 = arith.constant 80 : index
        %swap3A_265 = tpu.vector_load %arg10[%swap3A_263, %swap3A_264] {strides = array<i32>} : memref<100x128xf32, #tpu.memory_space<vmem>>, vector<1x16xf32>,
        %swap3A_266 = vector.shape_cast %swap3A_265 : vector<1x16xf32> to vector<16xf32>
        %swap3A_267 = vector.shape_cast %add3A_262 : vector<16xf32> to vector<1x16xf32>
        tpu.vector_store %arg10[%swap3A_263, %swap3A_264], %swap3A_267 {strides = array<i32>} : memref<100x128xf32, #tpu.memory_space<vmem>>, vector<1x16xf32>,
        %get3A_268 = arith.index_cast %add3A_179 : i32 to index
        %get3A_269 = arith.constant 96 : index
        %get3A_270 = tpu.vector_load %arg10[%get3A_268, %get3A_269] {strides = array<i32>} : memref<100x128xf32, #tpu.memory_space<vmem>>, vector<1x16xf32>,
        %get3A_271 = vector.shape_cast %get3A_270 : vector<1x16xf32> to vector<16xf32>
        %add3A_272 = arith.addi %mul3A_114, %add3A_179 : i32
        %get3A_273 = arith.index_cast %add3A_272 : i32 to index
        %get3A_274 = arith.constant 96 : index
        %get3A_275 = tpu.vector_load %arg7[%get3A_273, %get3A_274] {strides = array<i32>} : memref<200x128xf32, #tpu.memory_space<vmem>>, vector<1x16xf32>,
        %get3A_276 = vector.shape_cast %get3A_275 : vector<1x16xf32> to vector<16xf32>
        %add3A_277 = arith.addf %get3A_271, %get3A_276 : vector<16xf32>
        %swap3A_278 = arith.index_cast %add3A_179 : i32 to index
        %swap3A_279 = arith.constant 96 : index
        %swap3A_280 = tpu.vector_load %arg10[%swap3A_278, %swap3A_279] {strides = array<i32>} : memref<100x128xf32, #tpu.memory_space<vmem>>, vector<1x16xf32>,
        %swap3A_281 = vector.shape_cast %swap3A_280 : vector<1x16xf32> to vector<16xf32>
        %swap3A_282 = vector.shape_cast %add3A_277 : vector<16xf32> to vector<1x16xf32>
        tpu.vector_store %arg10[%swap3A_278, %swap3A_279], %swap3A_282 {strides = array<i32>} : memref<100x128xf32, #tpu.memory_space<vmem>>, vector<1x16xf32>,
        %get3A_283 = arith.index_cast %add3A_179 : i32 to index
        %get3A_284 = arith.constant 112 : index
        %get3A_285 = tpu.vector_load %arg10[%get3A_283, %get3A_284] {strides = array<i32>} : memref<100x128xf32, #tpu.memory_space<vmem>>, vector<1x16xf32>,
        %get3A_286 = vector.shape_cast %get3A_285 : vector<1x16xf32> to vector<16xf32>
        %add3A_287 = arith.addi %mul3A_114, %add3A_179 : i32
        %get3A_288 = arith.index_cast %add3A_287 : i32 to index
        %get3A_289 = arith.constant 112 : index
        %get3A_290 = tpu.vector_load %arg7[%get3A_288, %get3A_289] {strides = array<i32>} : memref<200x128xf32, #tpu.memory_space<vmem>>, vector<1x16xf32>,
        %get3A_291 = vector.shape_cast %get3A_290 : vector<1x16xf32> to vector<16xf32>
        %add3A_292 = arith.addf %get3A_286, %get3A_291 : vector<16xf32>
        %swap3A_293 = arith.index_cast %add3A_179 : i32 to index
        %swap3A_294 = arith.constant 112 : index
        %swap3A_295 = tpu.vector_load %arg10[%swap3A_293, %swap3A_294] {strides = array<i32>} : memref<100x128xf32, #tpu.memory_space<vmem>>, vector<1x16xf32>,
        %swap3A_296 = vector.shape_cast %swap3A_295 : vector<1x16xf32> to vector<16xf32>
        %swap3A_297 = vector.shape_cast %add3A_292 : vector<16xf32> to vector<1x16xf32>
        tpu.vector_store %arg10[%swap3A_293, %swap3A_294], %swap3A_297 {strides = array<i32>} : memref<100x128xf32, #tpu.memory_space<vmem>>, vector<1x16xf32>,
      }
      %scan3A_119 = arith.constant 100 : i32
      %mul3A_120 = arith.constant 100 : i32
      %mul3A_121 = arith.muli %add3A_104, %mul3A_120 : i32
      %add3A_122 = arith.addi %mul3A_2, %mul3A_121 : i32
      %dma_start3A_123 = arith.constant 0 : i32
      %dma_start3A_124 = tpu.memref_slice %arg5[%add3A_122, %dma_start3A_123] : memref<819200x128xf32, #tpu.memory_space<hbm>> -> memref<100x128xf32, #tpu.memory_space<hbm>>
      %dma_start3A_125 = arith.constant 0 : i32
      %dma_start3A_126 = tpu.memref_slice %arg5[%add3A_122, %dma_start3A_125] : memref<819200x128xf32, #tpu.memory_space<hbm>> -> memref<100x128xf32, #tpu.memory_space<hbm>>
      tpu.enqueue_dma source(%arg10 : memref<100x128xf32, #tpu.memory_space<vmem>>) target(%dma_start3A_126 : memref<100x128xf32, #tpu.memory_space<hbm>>) target_semaphore(%arg18 : memref<!tpu.dma_semaphore, #tpu.memory_space<semaphore_mem>>)
      %ge3A_127 = arith.constant 2 : i32
      %ge3A_128 = arith.cmpi sge, %add3A_104, %ge3A_127 : i32
      %convert_element_type3A_129 = arith.extui %ge3A_128 : i1 to i32
      %cond3A_130 = arith.constant 0 : i32
      %cond3A_131 = arith.cmpi ne, %convert_element_type3A_129, %cond3A_130 : i32
      scf.if %cond3A_131 {
        %sub3A = arith.constant 2 : i32
        %sub3A_175 = arith.subi %add3A_104, %sub3A : i32
        %mul3A_176 = arith.constant 100 : i32
        %mul3A_177 = arith.muli %sub3A_175, %mul3A_176 : i32
        %add3A_178 = arith.addi %mul3A_2, %mul3A_177 : i32
        %dma_wait3A_179 = arith.constant 0 : i32
        %dma_wait3A_180 = tpu.memref_slice %arg5[%add3A_178, %dma_wait3A_179] : memref<819200x128xf32, #tpu.memory_space<hbm>> -> memref<100x128xf32, #tpu.memory_space<hbm>>
        %dma_wait3A_181 = arith.constant 0 : i32
        %dma_wait3A_182 = tpu.memref_slice %arg5[%add3A_178, %dma_wait3A_181] : memref<819200x128xf32, #tpu.memory_space<hbm>> -> memref<100x128xf32, #tpu.memory_space<hbm>>
        tpu.wait_dma2 semaphore(%arg16 : memref<!tpu.dma_semaphore, #tpu.memory_space<semaphore_mem>>) src(%arg8 : memref<100x128xf32, #tpu.memory_space<vmem>>) dst(%dma_wait3A_182 : memref<100x128xf32, #tpu.memory_space<hbm>>)
      } else {
      }
      %add3A_132 = arith.constant 2 : i32
      %add3A_133 = arith.addi %add3A_104, %add3A_132 : i32
      %lt3A_134 = arith.constant 256 : i32
      %lt3A_135 = arith.cmpi slt, %add3A_133, %lt3A_134 : i32
      %convert_element_type3A_136 = arith.extui %lt3A_135 : i1 to i32
      %cond3A_137 = arith.constant 0 : i32
      %cond3A_138 = arith.cmpi ne, %convert_element_type3A_136, %cond3A_137 : i32
      scf.if %cond3A_138 {
        %add3A_175 = arith.constant 2 : i32
        %add3A_176 = arith.addi %add3A_104, %add3A_175 : i32
        %dma_start3A_177 = arith.constant 0 : i32
        %dma_start3A_178 = tpu.memref_slice %arg6[%add3A_176, %dma_start3A_177] : memref<256x100xi32, #tpu.memory_space<vmem>> -> memref<1x100xi32, #tpu.memory_space<vmem>>
        %dma_start3A_179 = tpu.memref_squeeze %dma_start3A_178 : memref<1x100xi32, #tpu.memory_space<vmem>> -> memref<100xi32, #tpu.memory_space<vmem>>
        %dma_start3A_180 = arith.constant 0 : i32
        %dma_start3A_181 = arith.constant 0 : i32
        %dma_start3A_182 = tpu.memref_slice %arg2[%dma_start3A_180, %dma_start3A_181] : memref<100000x128xf32, #tpu.memory_space<hbm>> -> memref<100000x128xf32, #tpu.memory_space<hbm>>
        tpu.enqueue_indirect_dma source(%dma_start3A_182 : memref<100000x128xf32, #tpu.memory_space<hbm>>) target(%arg8 : memref<100x128xf32, #tpu.memory_space<vmem>>) offsets(%dma_start3A_179 : memref<100xi32, #tpu.memory_space<vmem>>) semaphore(%arg12 : memref<!tpu.dma_semaphore, #tpu.memory_space<semaphore_mem>>)
      } else {
      }
      %add3A_139 = arith.constant 3 : i32
      %add3A_140 = arith.addi %add3A_35, %add3A_139 : i32
      %dma_wait3A_141 = arith.constant 0 : i32
      %dma_wait3A_142 = tpu.memref_slice %arg6[%add3A_140, %dma_wait3A_141] : memref<256x100xi32, #tpu.memory_space<vmem>> -> memref<1x100xi32, #tpu.memory_space<vmem>>
      %dma_wait3A_143 = tpu.memref_squeeze %dma_wait3A_142 : memref<1x100xi32, #tpu.memory_space<vmem>> -> memref<100xi32, #tpu.memory_space<vmem>>
      %dma_wait3A_144 = arith.constant 0 : i32
      %dma_wait3A_145 = arith.constant 0 : i32
      %dma_wait3A_146 = tpu.memref_slice %arg2[%dma_wait3A_144, %dma_wait3A_145] : memref<100000x128xf32, #tpu.memory_space<hbm>> -> memref<100000x128xf32, #tpu.memory_space<hbm>>
      tpu.wait_indirect_dma semaphore(%arg15 : memref<!tpu.dma_semaphore, #tpu.memory_space<semaphore_mem>>) src(%dma_wait3A_146 : memref<100000x128xf32, #tpu.memory_space<hbm>>) dst(%arg11 : memref<100x128xf32, #tpu.memory_space<vmem>>)
      %rem3A_147 = arith.constant 2 : i32
      %rem3A_148 = arith.remsi %add3A_140, %rem3A_147 : i32
      %mul3A_149 = arith.constant 100 : i32
      %mul3A_150 = arith.muli %rem3A_148, %mul3A_149 : i32
      %scan3A_151 = arith.constant 0 : i32
      %scan3A_152 = arith.constant 100 : i32
      %scan3A_153 = arith.addi %scan3A_151, %scan3A_152 : i32
      %scan3A_154 = arith.constant 1 : i32
      scf.for %scan3A_175 = %scan3A_151 to %scan3A_153 step %scan3A_154  : i32 {
        %mul3A_176 = arith.constant 1 : i32
        %mul3A_177 = arith.muli %scan3A_175, %mul3A_176 : i32
        %add3A_178 = arith.constant 0 : i32
        %add3A_179 = arith.addi %add3A_178, %mul3A_177 : i32
        %get3A = arith.index_cast %add3A_179 : i32 to index
        %get3A_180 = arith.constant 0 : index
        %get3A_181 = tpu.vector_load %arg11[%get3A, %get3A_180] {strides = array<i32>} : memref<100x128xf32, #tpu.memory_space<vmem>>, vector<1x16xf32>,
        %get3A_182 = vector.shape_cast %get3A_181 : vector<1x16xf32> to vector<16xf32>
        %add3A_183 = arith.addi %mul3A_150, %add3A_179 : i32
        %get3A_184 = arith.index_cast %add3A_183 : i32 to index
        %get3A_185 = arith.constant 0 : index
        %get3A_186 = tpu.vector_load %arg7[%get3A_184, %get3A_185] {strides = array<i32>} : memref<200x128xf32, #tpu.memory_space<vmem>>, vector<1x16xf32>,
        %get3A_187 = vector.shape_cast %get3A_186 : vector<1x16xf32> to vector<16xf32>
        %add3A_188 = arith.addf %get3A_182, %get3A_187 : vector<16xf32>
        %swap3A = arith.index_cast %add3A_179 : i32 to index
        %swap3A_189 = arith.constant 0 : index
        %swap3A_190 = tpu.vector_load %arg11[%swap3A, %swap3A_189] {strides = array<i32>} : memref<100x128xf32, #tpu.memory_space<vmem>>, vector<1x16xf32>,
        %swap3A_191 = vector.shape_cast %swap3A_190 : vector<1x16xf32> to vector<16xf32>
        %swap3A_192 = vector.shape_cast %add3A_188 : vector<16xf32> to vector<1x16xf32>
        tpu.vector_store %arg11[%swap3A, %swap3A_189], %swap3A_192 {strides = array<i32>} : memref<100x128xf32, #tpu.memory_space<vmem>>, vector<1x16xf32>,
        %get3A_193 = arith.index_cast %add3A_179 : i32 to index
        %get3A_194 = arith.constant 16 : index
        %get3A_195 = tpu.vector_load %arg11[%get3A_193, %get3A_194] {strides = array<i32>} : memref<100x128xf32, #tpu.memory_space<vmem>>, vector<1x16xf32>,
        %get3A_196 = vector.shape_cast %get3A_195 : vector<1x16xf32> to vector<16xf32>
        %add3A_197 = arith.addi %mul3A_150, %add3A_179 : i32
        %get3A_198 = arith.index_cast %add3A_197 : i32 to index
        %get3A_199 = arith.constant 16 : index
        %get3A_200 = tpu.vector_load %arg7[%get3A_198, %get3A_199] {strides = array<i32>} : memref<200x128xf32, #tpu.memory_space<vmem>>, vector<1x16xf32>,
        %get3A_201 = vector.shape_cast %get3A_200 : vector<1x16xf32> to vector<16xf32>
        %add3A_202 = arith.addf %get3A_196, %get3A_201 : vector<16xf32>
        %swap3A_203 = arith.index_cast %add3A_179 : i32 to index
        %swap3A_204 = arith.constant 16 : index
        %swap3A_205 = tpu.vector_load %arg11[%swap3A_203, %swap3A_204] {strides = array<i32>} : memref<100x128xf32, #tpu.memory_space<vmem>>, vector<1x16xf32>,
        %swap3A_206 = vector.shape_cast %swap3A_205 : vector<1x16xf32> to vector<16xf32>
        %swap3A_207 = vector.shape_cast %add3A_202 : vector<16xf32> to vector<1x16xf32>
        tpu.vector_store %arg11[%swap3A_203, %swap3A_204], %swap3A_207 {strides = array<i32>} : memref<100x128xf32, #tpu.memory_space<vmem>>, vector<1x16xf32>,
        %get3A_208 = arith.index_cast %add3A_179 : i32 to index
        %get3A_209 = arith.constant 32 : index
        %get3A_210 = tpu.vector_load %arg11[%get3A_208, %get3A_209] {strides = array<i32>} : memref<100x128xf32, #tpu.memory_space<vmem>>, vector<1x16xf32>,
        %get3A_211 = vector.shape_cast %get3A_210 : vector<1x16xf32> to vector<16xf32>
        %add3A_212 = arith.addi %mul3A_150, %add3A_179 : i32
        %get3A_213 = arith.index_cast %add3A_212 : i32 to index
        %get3A_214 = arith.constant 32 : index
        %get3A_215 = tpu.vector_load %arg7[%get3A_213, %get3A_214] {strides = array<i32>} : memref<200x128xf32, #tpu.memory_space<vmem>>, vector<1x16xf32>,
        %get3A_216 = vector.shape_cast %get3A_215 : vector<1x16xf32> to vector<16xf32>
        %add3A_217 = arith.addf %get3A_211, %get3A_216 : vector<16xf32>
        %swap3A_218 = arith.index_cast %add3A_179 : i32 to index
        %swap3A_219 = arith.constant 32 : index
        %swap3A_220 = tpu.vector_load %arg11[%swap3A_218, %swap3A_219] {strides = array<i32>} : memref<100x128xf32, #tpu.memory_space<vmem>>, vector<1x16xf32>,
        %swap3A_221 = vector.shape_cast %swap3A_220 : vector<1x16xf32> to vector<16xf32>
        %swap3A_222 = vector.shape_cast %add3A_217 : vector<16xf32> to vector<1x16xf32>
        tpu.vector_store %arg11[%swap3A_218, %swap3A_219], %swap3A_222 {strides = array<i32>} : memref<100x128xf32, #tpu.memory_space<vmem>>, vector<1x16xf32>,
        %get3A_223 = arith.index_cast %add3A_179 : i32 to index
        %get3A_224 = arith.constant 48 : index
        %get3A_225 = tpu.vector_load %arg11[%get3A_223, %get3A_224] {strides = array<i32>} : memref<100x128xf32, #tpu.memory_space<vmem>>, vector<1x16xf32>,
        %get3A_226 = vector.shape_cast %get3A_225 : vector<1x16xf32> to vector<16xf32>
        %add3A_227 = arith.addi %mul3A_150, %add3A_179 : i32
        %get3A_228 = arith.index_cast %add3A_227 : i32 to index
        %get3A_229 = arith.constant 48 : index
        %get3A_230 = tpu.vector_load %arg7[%get3A_228, %get3A_229] {strides = array<i32>} : memref<200x128xf32, #tpu.memory_space<vmem>>, vector<1x16xf32>,
        %get3A_231 = vector.shape_cast %get3A_230 : vector<1x16xf32> to vector<16xf32>
        %add3A_232 = arith.addf %get3A_226, %get3A_231 : vector<16xf32>
        %swap3A_233 = arith.index_cast %add3A_179 : i32 to index
        %swap3A_234 = arith.constant 48 : index
        %swap3A_235 = tpu.vector_load %arg11[%swap3A_233, %swap3A_234] {strides = array<i32>} : memref<100x128xf32, #tpu.memory_space<vmem>>, vector<1x16xf32>,
        %swap3A_236 = vector.shape_cast %swap3A_235 : vector<1x16xf32> to vector<16xf32>
        %swap3A_237 = vector.shape_cast %add3A_232 : vector<16xf32> to vector<1x16xf32>
        tpu.vector_store %arg11[%swap3A_233, %swap3A_234], %swap3A_237 {strides = array<i32>} : memref<100x128xf32, #tpu.memory_space<vmem>>, vector<1x16xf32>,
        %get3A_238 = arith.index_cast %add3A_179 : i32 to index
        %get3A_239 = arith.constant 64 : index
        %get3A_240 = tpu.vector_load %arg11[%get3A_238, %get3A_239] {strides = array<i32>} : memref<100x128xf32, #tpu.memory_space<vmem>>, vector<1x16xf32>,
        %get3A_241 = vector.shape_cast %get3A_240 : vector<1x16xf32> to vector<16xf32>
        %add3A_242 = arith.addi %mul3A_150, %add3A_179 : i32
        %get3A_243 = arith.index_cast %add3A_242 : i32 to index
        %get3A_244 = arith.constant 64 : index
        %get3A_245 = tpu.vector_load %arg7[%get3A_243, %get3A_244] {strides = array<i32>} : memref<200x128xf32, #tpu.memory_space<vmem>>, vector<1x16xf32>,
        %get3A_246 = vector.shape_cast %get3A_245 : vector<1x16xf32> to vector<16xf32>
        %add3A_247 = arith.addf %get3A_241, %get3A_246 : vector<16xf32>
        %swap3A_248 = arith.index_cast %add3A_179 : i32 to index
        %swap3A_249 = arith.constant 64 : index
        %swap3A_250 = tpu.vector_load %arg11[%swap3A_248, %swap3A_249] {strides = array<i32>} : memref<100x128xf32, #tpu.memory_space<vmem>>, vector<1x16xf32>,
        %swap3A_251 = vector.shape_cast %swap3A_250 : vector<1x16xf32> to vector<16xf32>
        %swap3A_252 = vector.shape_cast %add3A_247 : vector<16xf32> to vector<1x16xf32>
        tpu.vector_store %arg11[%swap3A_248, %swap3A_249], %swap3A_252 {strides = array<i32>} : memref<100x128xf32, #tpu.memory_space<vmem>>, vector<1x16xf32>,
        %get3A_253 = arith.index_cast %add3A_179 : i32 to index
        %get3A_254 = arith.constant 80 : index
        %get3A_255 = tpu.vector_load %arg11[%get3A_253, %get3A_254] {strides = array<i32>} : memref<100x128xf32, #tpu.memory_space<vmem>>, vector<1x16xf32>,
        %get3A_256 = vector.shape_cast %get3A_255 : vector<1x16xf32> to vector<16xf32>
        %add3A_257 = arith.addi %mul3A_150, %add3A_179 : i32
        %get3A_258 = arith.index_cast %add3A_257 : i32 to index
        %get3A_259 = arith.constant 80 : index
        %get3A_260 = tpu.vector_load %arg7[%get3A_258, %get3A_259] {strides = array<i32>} : memref<200x128xf32, #tpu.memory_space<vmem>>, vector<1x16xf32>,
        %get3A_261 = vector.shape_cast %get3A_260 : vector<1x16xf32> to vector<16xf32>
        %add3A_262 = arith.addf %get3A_256, %get3A_261 : vector<16xf32>
        %swap3A_263 = arith.index_cast %add3A_179 : i32 to index
        %swap3A_264 = arith.constant 80 : index
        %swap3A_265 = tpu.vector_load %arg11[%swap3A_263, %swap3A_264] {strides = array<i32>} : memref<100x128xf32, #tpu.memory_space<vmem>>, vector<1x16xf32>,
        %swap3A_266 = vector.shape_cast %swap3A_265 : vector<1x16xf32> to vector<16xf32>
        %swap3A_267 = vector.shape_cast %add3A_262 : vector<16xf32> to vector<1x16xf32>
        tpu.vector_store %arg11[%swap3A_263, %swap3A_264], %swap3A_267 {strides = array<i32>} : memref<100x128xf32, #tpu.memory_space<vmem>>, vector<1x16xf32>,
        %get3A_268 = arith.index_cast %add3A_179 : i32 to index
        %get3A_269 = arith.constant 96 : index
        %get3A_270 = tpu.vector_load %arg11[%get3A_268, %get3A_269] {strides = array<i32>} : memref<100x128xf32, #tpu.memory_space<vmem>>, vector<1x16xf32>,
        %get3A_271 = vector.shape_cast %get3A_270 : vector<1x16xf32> to vector<16xf32>
        %add3A_272 = arith.addi %mul3A_150, %add3A_179 : i32
        %get3A_273 = arith.index_cast %add3A_272 : i32 to index
        %get3A_274 = arith.constant 96 : index
        %get3A_275 = tpu.vector_load %arg7[%get3A_273, %get3A_274] {strides = array<i32>} : memref<200x128xf32, #tpu.memory_space<vmem>>, vector<1x16xf32>,
        %get3A_276 = vector.shape_cast %get3A_275 : vector<1x16xf32> to vector<16xf32>
        %add3A_277 = arith.addf %get3A_271, %get3A_276 : vector<16xf32>
        %swap3A_278 = arith.index_cast %add3A_179 : i32 to index
        %swap3A_279 = arith.constant 96 : index
        %swap3A_280 = tpu.vector_load %arg11[%swap3A_278, %swap3A_279] {strides = array<i32>} : memref<100x128xf32, #tpu.memory_space<vmem>>, vector<1x16xf32>,
        %swap3A_281 = vector.shape_cast %swap3A_280 : vector<1x16xf32> to vector<16xf32>
        %swap3A_282 = vector.shape_cast %add3A_277 : vector<16xf32> to vector<1x16xf32>
        tpu.vector_store %arg11[%swap3A_278, %swap3A_279], %swap3A_282 {strides = array<i32>} : memref<100x128xf32, #tpu.memory_space<vmem>>, vector<1x16xf32>,
        %get3A_283 = arith.index_cast %add3A_179 : i32 to index
        %get3A_284 = arith.constant 112 : index
        %get3A_285 = tpu.vector_load %arg11[%get3A_283, %get3A_284] {strides = array<i32>} : memref<100x128xf32, #tpu.memory_space<vmem>>, vector<1x16xf32>,
        %get3A_286 = vector.shape_cast %get3A_285 : vector<1x16xf32> to vector<16xf32>
        %add3A_287 = arith.addi %mul3A_150, %add3A_179 : i32
        %get3A_288 = arith.index_cast %add3A_287 : i32 to index
        %get3A_289 = arith.constant 112 : index
        %get3A_290 = tpu.vector_load %arg7[%get3A_288, %get3A_289] {strides = array<i32>} : memref<200x128xf32, #tpu.memory_space<vmem>>, vector<1x16xf32>,
        %get3A_291 = vector.shape_cast %get3A_290 : vector<1x16xf32> to vector<16xf32>
        %add3A_292 = arith.addf %get3A_286, %get3A_291 : vector<16xf32>
        %swap3A_293 = arith.index_cast %add3A_179 : i32 to index
        %swap3A_294 = arith.constant 112 : index
        %swap3A_295 = tpu.vector_load %arg11[%swap3A_293, %swap3A_294] {strides = array<i32>} : memref<100x128xf32, #tpu.memory_space<vmem>>, vector<1x16xf32>,
        %swap3A_296 = vector.shape_cast %swap3A_295 : vector<1x16xf32> to vector<16xf32>
        %swap3A_297 = vector.shape_cast %add3A_292 : vector<16xf32> to vector<1x16xf32>
        tpu.vector_store %arg11[%swap3A_293, %swap3A_294], %swap3A_297 {strides = array<i32>} : memref<100x128xf32, #tpu.memory_space<vmem>>, vector<1x16xf32>,
      }
      %scan3A_155 = arith.constant 100 : i32
      %mul3A_156 = arith.constant 100 : i32
      %mul3A_157 = arith.muli %add3A_140, %mul3A_156 : i32
      %add3A_158 = arith.addi %mul3A_2, %mul3A_157 : i32
      %dma_start3A_159 = arith.constant 0 : i32
      %dma_start3A_160 = tpu.memref_slice %arg5[%add3A_158, %dma_start3A_159] : memref<819200x128xf32, #tpu.memory_space<hbm>> -> memref<100x128xf32, #tpu.memory_space<hbm>>
      %dma_start3A_161 = arith.constant 0 : i32
      %dma_start3A_162 = tpu.memref_slice %arg5[%add3A_158, %dma_start3A_161] : memref<819200x128xf32, #tpu.memory_space<hbm>> -> memref<100x128xf32, #tpu.memory_space<hbm>>
      tpu.enqueue_dma source(%arg11 : memref<100x128xf32, #tpu.memory_space<vmem>>) target(%dma_start3A_162 : memref<100x128xf32, #tpu.memory_space<hbm>>) target_semaphore(%arg19 : memref<!tpu.dma_semaphore, #tpu.memory_space<semaphore_mem>>)
      %ge3A_163 = arith.constant 2 : i32
      %ge3A_164 = arith.cmpi sge, %add3A_140, %ge3A_163 : i32
      %convert_element_type3A_165 = arith.extui %ge3A_164 : i1 to i32
      %cond3A_166 = arith.constant 0 : i32
      %cond3A_167 = arith.cmpi ne, %convert_element_type3A_165, %cond3A_166 : i32
      scf.if %cond3A_167 {
        %sub3A = arith.constant 2 : i32
        %sub3A_175 = arith.subi %add3A_140, %sub3A : i32
        %mul3A_176 = arith.constant 100 : i32
        %mul3A_177 = arith.muli %sub3A_175, %mul3A_176 : i32
        %add3A_178 = arith.addi %mul3A_2, %mul3A_177 : i32
        %dma_wait3A_179 = arith.constant 0 : i32
        %dma_wait3A_180 = tpu.memref_slice %arg5[%add3A_178, %dma_wait3A_179] : memref<819200x128xf32, #tpu.memory_space<hbm>> -> memref<100x128xf32, #tpu.memory_space<hbm>>
        %dma_wait3A_181 = arith.constant 0 : i32
        %dma_wait3A_182 = tpu.memref_slice %arg5[%add3A_178, %dma_wait3A_181] : memref<819200x128xf32, #tpu.memory_space<hbm>> -> memref<100x128xf32, #tpu.memory_space<hbm>>
        tpu.wait_dma2 semaphore(%arg17 : memref<!tpu.dma_semaphore, #tpu.memory_space<semaphore_mem>>) src(%arg9 : memref<100x128xf32, #tpu.memory_space<vmem>>) dst(%dma_wait3A_182 : memref<100x128xf32, #tpu.memory_space<hbm>>)
      } else {
      }
      %add3A_168 = arith.constant 2 : i32
      %add3A_169 = arith.addi %add3A_140, %add3A_168 : i32
      %lt3A_170 = arith.constant 256 : i32
      %lt3A_171 = arith.cmpi slt, %add3A_169, %lt3A_170 : i32
      %convert_element_type3A_172 = arith.extui %lt3A_171 : i1 to i32
      %cond3A_173 = arith.constant 0 : i32
      %cond3A_174 = arith.cmpi ne, %convert_element_type3A_172, %cond3A_173 : i32
      scf.if %cond3A_174 {
        %add3A_175 = arith.constant 2 : i32
        %add3A_176 = arith.addi %add3A_140, %add3A_175 : i32
        %dma_start3A_177 = arith.constant 0 : i32
        %dma_start3A_178 = tpu.memref_slice %arg6[%add3A_176, %dma_start3A_177] : memref<256x100xi32, #tpu.memory_space<vmem>> -> memref<1x100xi32, #tpu.memory_space<vmem>>
        %dma_start3A_179 = tpu.memref_squeeze %dma_start3A_178 : memref<1x100xi32, #tpu.memory_space<vmem>> -> memref<100xi32, #tpu.memory_space<vmem>>
        %dma_start3A_180 = arith.constant 0 : i32
        %dma_start3A_181 = arith.constant 0 : i32
        %dma_start3A_182 = tpu.memref_slice %arg2[%dma_start3A_180, %dma_start3A_181] : memref<100000x128xf32, #tpu.memory_space<hbm>> -> memref<100000x128xf32, #tpu.memory_space<hbm>>
        tpu.enqueue_indirect_dma source(%dma_start3A_182 : memref<100000x128xf32, #tpu.memory_space<hbm>>) target(%arg9 : memref<100x128xf32, #tpu.memory_space<vmem>>) offsets(%dma_start3A_179 : memref<100xi32, #tpu.memory_space<vmem>>) semaphore(%arg13 : memref<!tpu.dma_semaphore, #tpu.memory_space<semaphore_mem>>)
      } else {
      }
    }
    %scan3A_19 = arith.constant 64 : i32
    %add3A_20 = arith.constant 25400 : i32
    %add3A_21 = arith.addi %mul3A_2, %add3A_20 : i32
    %dma_wait3A = arith.constant 0 : i32
    %dma_wait3A_22 = tpu.memref_slice %arg5[%add3A_21, %dma_wait3A] : memref<819200x128xf32, #tpu.memory_space<hbm>> -> memref<100x128xf32, #tpu.memory_space<hbm>>
    %dma_wait3A_23 = arith.constant 0 : i32
    %dma_wait3A_24 = tpu.memref_slice %arg5[%add3A_21, %dma_wait3A_23] : memref<819200x128xf32, #tpu.memory_space<hbm>> -> memref<100x128xf32, #tpu.memory_space<hbm>>
    tpu.wait_dma2 semaphore(%arg18 : memref<!tpu.dma_semaphore, #tpu.memory_space<semaphore_mem>>) src(%arg10 : memref<100x128xf32, #tpu.memory_space<vmem>>) dst(%dma_wait3A_24 : memref<100x128xf32, #tpu.memory_space<hbm>>)
    %add3A_25 = arith.constant 25500 : i32
    %add3A_26 = arith.addi %mul3A_2, %add3A_25 : i32
    %dma_wait3A_27 = arith.constant 0 : i32
    %dma_wait3A_28 = tpu.memref_slice %arg5[%add3A_26, %dma_wait3A_27] : memref<819200x128xf32, #tpu.memory_space<hbm>> -> memref<100x128xf32, #tpu.memory_space<hbm>>
    %dma_wait3A_29 = arith.constant 0 : i32
    %dma_wait3A_30 = tpu.memref_slice %arg5[%add3A_26, %dma_wait3A_29] : memref<819200x128xf32, #tpu.memory_space<hbm>> -> memref<100x128xf32, #tpu.memory_space<hbm>>
    tpu.wait_dma2 semaphore(%arg19 : memref<!tpu.dma_semaphore, #tpu.memory_space<semaphore_mem>>) src(%arg11 : memref<100x128xf32, #tpu.memory_space<vmem>>) dst(%dma_wait3A_30 : memref<100x128xf32, #tpu.memory_space<hbm>>)
    return
  }
}

</mosaic_0001>

<sc_bundles>
// kernel: kernel.3.cloned.1.call-start
scs
__scs_entry_jumppad:
0x0: {  	(pc) =	sbr.rel $0x88, $3  }
0x1: {  	(tag) =	ssettag $0x0;
	lr =	simm.s32 $0x1  }
0x2: {  	[smem:$0x3F9E] =	sst lr;
	_ =	strace $0xD0000000  }
0x3: {  	_ = 	snop  }
0x4: {  	_ = 	snop  }
0x5: {  	_ = 	snop  }
0x6: {  	_ = 	snop  }
0x7: {  	_ = 	snop  }
__scs_overlays_trampoline_lowered:
0x8: {  	[smem:$0x3FAD] =	sst s0  }
0x9: {  	[smem:$0x3FAE] =	sst s1  }
0xa: {  	[smem:$0x3FAF] =	sst s2  }
0xb: {  	[smem:$0x3FB0] =	sst s3  }
0xc: {  	[smem:$0x3FB1] =	sst s4  }
0xd: {  	[smem:$0x3FB2] =	sst s5  }
0xe: {  	[smem:$0x3FB3] =	sst s6  }
0xf: {  	[smem:$0x3FB4] =	sst s7  }
0x10: {  	[smem:$0x3FB5] =	sst s8  }
0x11: {  	[smem:$0x3FB6] =	sst s9;
	s0 =	simm.s32 @!p0 $0x0  }
0x12: {  	s1 =	sld [smem:$0x3F9C];
	s0 =	simm.s32 @p0 $0x1  }
0x13: {  	[smem:$0x3FB7] =	sst s0;
	s0 =	simm.s32 @!p1 $0x0  }
0x14: {  	s2 =	sld [smem:$0x3F9B];
	s0 =	simm.s32 @p1 $0x1  }
0x15: {  	[smem:$0x3FB8] =	sst s0;
	s0 =	simm.s32 @!p2 $0x0  }
0x16: {  	s3 =	sld [smem:$0x3FDB];
	s0 =	simm.s32 @p2 $0x1  }
0x17: {  	s4 =	simm.s32 $0x1BF5;
	[smem:$0x3FBA] =	sst s0  }
0x18: {  	s0 =	sld [smem:$0x3F9D];
	_ =	swait.ge [sflag:s4], $0x0  }
0x19: {  	s7 =	sld [smem:$0x3F9E]  }
0x1a: {  	s8 =	sadd.s32 $0xFFFFE003, lr  }
0x1b: {  	s9 =	sadd.s32 $0xFFFFFEF7, lr;
	s5 =	simm.s32 $0xFFFFFFFF;
	p2 =	slt.u32 s8, $0xFFFFF086  }
0x1c: {  	p1 =	slt.u32 s9, $0xF7A;
	s5 =	simm.s32 @!p2 $0x0  }
0x1d: {  	s5 =	simm.s32 @p1 $0x1;
	p0 =	seq.s32 s7, s2  }
0x1e: {  	s7 =	smul.u32 @!p0 $0xF7A, s2;
	p2 =	seq.s32 @!p0 s5, $0x0  }
0x1f: {  	s9 =	smul.u32 $0xF7A, s1;
	s8 =	simm.s32 @!p0 $0x1BF5;
	p2 =	por !p2, p0  }
0x20: {  	[sflag:s8] =	ssyncset.s32 @!p0 $0xFFFFF086;
	s6 =	sadd.s32 @!p0 s3, s7;
	s7 =	simm.s32 @!p0 $0x108  }
0x21: {  	s3 =	sadd.s32 s3, s9;
	s6 =	sadd.s32 @!p0 $0x88, s6;
	s7 =	simm.s32 @p2 $0x1082  }
0x22: {  	[simem:s7], [sflag:s8] =	dma.local @!p0 [hbm:s6], $0xF7A  }
0x23: {  	s9 =	sor.u32 $0xD0000000, s2;
	s6 =	simm.s32 $0x108;
	_ =	swait.ge @!p0 [sflag:s8], $0x0  }
0x24: {  	s3 =	sadd.s32 $0x88, s3;
	s6 =	simm.s32 @!p1 $0x1082;
	[sflag:s4] =	ssyncset.s32 $0xFFFFF086  }
0x25: {  	[simem:s6], [sflag:s4] =	dma.local [hbm:s3], $0xF7A  }
0x26: {  	[smem:$0x3F9E] =	sst s1;
	(tag) =	ssettag s2;
	_ =	strace s9  }
0x27: {  	s1 =	sld [smem:$0x3FAE]  }
0x28: {  	s2 =	sld [smem:$0x3FAF]  }
0x29: {  	s4 =	sld [smem:$0x3FB1]  }
0x2a: {  	p0 =	seq.s32 s5, $0x0;
	s5 =	sld [smem:$0x3FB2]  }
0x2b: {  	s6 =	sld [smem:$0x3FB3]  }
0x2c: {  	s7 =	sld [smem:$0x3FB4]  }
0x2d: {  	s3 =	simm.s32 $0x108;
	s8 =	sld [smem:$0x3FB5]  }
0x2e: {  	s3 =	simm.s32 @!p0 $0x1082;
	s9 =	sld [smem:$0x3FB6]  }
0x2f: {  	lr =	sadd.s32 s0, s3;
	s0 =	sld [smem:$0x3FAD]  }
0x30: {  	s3 =	sld [smem:$0x3FB0]  }
0x31: {  	[smem:$0x3FB9] =	sst s10  }
0x32: {  	s10 =	sld [smem:$0x3FB7];
	_ =	sdelay $0x3  }
0x33: {  	p0 =	seq.s32 s10, $0x1;
	s10 =	sld [smem:$0x3FB9];
	_ =	sdelay $0x3  }
0x34: {  	[smem:$0x3FB9] =	sst s10  }
0x35: {  	s10 =	sld [smem:$0x3FB8];
	_ =	sdelay $0x3  }
0x36: {  	p1 =	seq.s32 s10, $0x1;
	s10 =	sld [smem:$0x3FB9];
	_ =	sdelay $0x3  }
0x37: {  	[smem:$0x3FB9] =	sst s10  }
0x38: {  	s10 =	sld [smem:$0x3FBA]  }
0x39: {  	_ = 	snop;
	(pc) =	sbr.ind lr, $3  }
0x3a: {  	_ = 	snop  }
0x3b: {  	_ = 	snop  }
0x3c: {  	p2 =	seq.s32 s10, $0x1;
	s10 =	sld [smem:$0x3FB9]  }
0x3d: {  	_ =	shalt  }
0x3e: {  	_ =	shalt  }
0x3f: {  	_ =	shalt  }
0x40: {  	_ =	shalt  }
0x41: {  	_ =	shalt  }
0x42: {  	_ =	shalt  }
0x43: {  	_ =	shalt  }
0x44: {  	_ =	shalt  }
0x45: {  	_ =	shalt  }
0x46: {  	_ =	shalt  }
0x47: {  	_ =	shalt  }
0x48: {  	_ =	shalt  }
0x49: {  	_ =	shalt  }
0x4a: {  	_ =	shalt  }
0x4b: {  	_ =	shalt  }
0x4c: {  	_ =	shalt  }
0x4d: {  	_ =	shalt  }
0x4e: {  	_ =	shalt  }
0x4f: {  	_ =	shalt  }
0x50: {  	_ =	shalt  }
0x51: {  	_ =	shalt  }
0x52: {  	_ =	shalt  }
0x53: {  	_ =	shalt  }
0x54: {  	_ =	shalt  }
0x55: {  	_ =	shalt  }
0x56: {  	_ =	shalt  }
0x57: {  	_ =	shalt  }
0x58: {  	_ =	shalt  }
0x59: {  	_ =	shalt  }
0x5a: {  	_ =	shalt  }
0x5b: {  	_ =	shalt  }
0x5c: {  	_ =	shalt  }
0x5d: {  	_ =	shalt  }
0x5e: {  	_ =	shalt  }
0x5f: {  	_ =	shalt  }
0x60: {  	_ =	shalt  }
0x61: {  	_ =	shalt  }
0x62: {  	_ =	shalt  }
0x63: {  	_ =	shalt  }
0x64: {  	_ =	shalt  }
0x65: {  	_ =	shalt  }
0x66: {  	_ =	shalt  }
0x67: {  	_ =	shalt  }
0x68: {  	_ =	shalt  }
0x69: {  	_ =	shalt  }
0x6a: {  	_ =	shalt  }
0x6b: {  	_ =	shalt  }
0x6c: {  	_ =	shalt  }
0x6d: {  	_ =	shalt  }
0x6e: {  	_ =	shalt  }
0x6f: {  	_ =	shalt  }
0x70: {  	_ =	shalt  }
0x71: {  	_ =	shalt  }
0x72: {  	_ =	shalt  }
0x73: {  	_ =	shalt  }
0x74: {  	_ =	shalt  }
0x75: {  	_ =	shalt  }
0x76: {  	_ =	shalt  }
0x77: {  	_ =	shalt  }
0x78: {  	_ =	shalt  }
0x79: {  	_ =	shalt  }
0x7a: {  	_ =	shalt  }
0x7b: {  	_ =	shalt  }
0x7c: {  	_ =	shalt  }
0x7d: {  	_ =	shalt  }
0x7e: {  	_ =	shalt  }
0x7f: {  	_ =	shalt  }
0x80: {  	_ =	shalt  }
0x81: {  	_ =	shalt  }
0x82: {  	_ =	shalt  }
0x83: {  	_ =	shalt  }
0x84: {  	_ =	shalt  }
0x85: {  	_ =	shalt  }
0x86: {  	_ =	shalt  }
0x87: {  	_ =	shalt  }
.Lfunc_end0:
.L_simem_size_0:
called_computation_lowered:
.L_overlay_start_0:
0x88: {  	s2 =	sld [smem:$0x3FD9]  }
0x89: {  	s3 =	sld [smem:$0x3FFE];
	_ =	sdelay $0x1  }
0x8a: {  	s1 =	srdreg.scid  }
0x8b: {  	s0 =	sand.u32 $0x1, s1  }
0x8c: {  	s17 =	sshll.u32 s0, $0xA;
	s2 =	sadd.s32 s3, s2  }
0x8d: {  	s2 =	sadd.s32 s2, s17  }
0x8e: {  	[smem:$0x3FC5] =	sst s2  }
0x8f: {  	_ = 	snop  }
0x90: {  	s2 =	sld [smem:$0x3FC8]  }
0x91: {  	s18 =	sld [smem:$0x3FC7]  }
0x92: {  	s4 =	sld [smem:$0x3FD0];
	(tm) =	ssettm $0x1  }
0x93: {  	s5 =	sld [smem:$0x3FFB];
	_ =	sdelay $0x3  }
0x94: {  	_ =	strace s5  }
0x95: {  	s5 =	sld [smem:$0x3FFC];
	_ =	sdelay $0x3  }
0x96: {  	_ =	strace s5  }
0x97: {  	s5 =	sld [smem:$0x3FFD];
	_ =	sdelay $0x3  }
0x98: {  	_ =	strace s5  }
0x99: {  	_ =	strace $0x8FFFFFFF  }
0x9a: {  	s19 =	sld [smem:$0x3FDB];
	_ =	sdelay $0x1  }
0x9b: {  	s6 =	simm.s32 $_scs_section_size  }
0x9c: {  	s7 =	simm.s32 $_size__tile_overlayer_lowered;
	s8 =	simm.s32 $_tile_overlayer_lowered  }
0x9d: {  	s22 =	simm.s32 $0x1BFF;
	s21 =	sshll.u32 s8, $0x1;
	s5 =	sadd.s32 s6, s19  }
0x9e: {  	s9 =	simm.s32 $0x0;
	s20 =	sshll.u32 s7, $0x1;
	s7 =	sadd.s32 s21, s5  }
0x9f: {  	[timem:s9], [sflag:s22] =	dma.local [hbm:s7], s20  }
0xa0: {  	_ =	swait.ge [sflag:s22], s20  }
0xa1: {  	s6 =	ssub.s32 $0x0, s20;
	[sflag:s22] =	ssyncset.done $0x0  }
0xa2: {  	[sflag:s22] =	ssyncadd.s32 s6;
	_ =	sdelay $0x1  }
0xa3: {  	s23 =	simm.s32 $0x1B8B  }
0xa4: {  	_ =	swait.ge [sflag:s23], $0x1  }
0xa5: {  	[sflag:s23] =	ssyncset.done $0x0  }
0xa6: {  	s25 =	simm.s32 $0x1B8E;
	s24 =	sld [smem:$0x3FFE];
	[sflag:s23] =	ssyncadd.s32 $0xFFFFFFFF  }
0xa7: {  	s26 =	simm.s32 $execute0_lowered;
	[smem:$0x3FD2] =	sst s25  }
0xa8: {  	s7 =	sshll.u32 s26, $0x1;
	_ =	strace $0x80000046;
	[dreg:$0x1] =	wrdreg $0xFFFFFFFF  }
0xa9: {  	s28 =	simm.s32 $_size_execute0_lowered;
	s5 =	sadd.s32 s5, s7;
	[dreg:$0x0] =	wrdreg $0x0  }
0xaa: {  	s7 =	sshll.u32 s28, $0x1;
	[dreg:$0x2] =	wrdreg s5  }
0xab: {  	[dreg:$0x3] =	wrdreg s7  }
0xac: {  	[dreg:$0x4] =	wrdreg $0xC0  }
0xad: {  	_ =	task [dreg:s9], $0x5FFFF  }
0xae: {  	[dreg:$0x1] =	wrdreg $0xFFFFFFFF  }
0xaf: {  	[dreg:$0x0] =	wrdreg $0x60  }
0xb0: {  	[dreg:$0x2] =	wrdreg s2  }
0xb1: {  	[dreg:$0x3] =	wrdreg s24  }
0xb2: {  	[dreg:$0x4] =	wrdreg s18  }
0xb3: {  	[dreg:$0x5] =	wrdreg s4  }
0xb4: {  	[dreg:$0x6] =	wrdreg $0x9  }
0xb5: {  	_ =	task.clear_ibuf [dreg:s9], $0x7FFFF;
	_ =	strace $0x90000046  }
0xb6: {  	s29 =	simm.s32 $0x9;
	_ =	strace $0x80000048  }
0xb7: {  	_ =	swait.ge [sflag:s29], $0x1  }
0xb8: {  	[sflag:s29] =	ssyncadd.s32 $0xFFFFFFFF  }
0xb9: {  	_ =	strace $0x90000048  }
0xba: {  	_ =	sfence  }
0xbb: {  	s30 =	sld [smem:$0x0];
	_ =	sdelay $0x2  }
0xbc: {  	s31 =	sshll.u32 s1, $0xD;
	s1 =	sshrl.u32 s1, $0x2  }
0xbd: {  	s3 =	sand.u32 $0x4000, s31;
	s1 =	sadd.s32 s1, s30  }
0xbe: {  	s0 =	sor.u32 s3, s0;
	s1 =	sshll.u32 s1, $0x11  }
0xbf: {  	s0 =	sor.u32 s1, s0  }
0xc0: {  	s0 =	sadd.s32 $0x8F2B, s0  }
0xc1: {  	[sflag:s0] =	ssyncadd.remote.s32 $0x1  }
0xc2: {  	_ =	sfence.sel $0xFFFF  }
0xc3: {  	[dreg:$0x0] =	wrdreg $0xFFFFFFFF;
	(pc) =	sbr.abs _section_cstart, $3  }
0xc4: {  	[dreg:$0x1] =	wrdreg $0xFFFFFFFF  }
0xc5: {  	_ =	task.clear_ibuf [dreg:s9], $0x2FFFF;
	_ =	strace $0x9FFFFFFF  }
0xc6: {  	(tm) =	ssettm $0x7FFFFFFF  }
0xc7: {  	_ =	shalt  }
tec
execute0_lowered:
.L_overlay_start_1:
0x0: {  	(tag) =	ssettag $0x1  }
0x1: {  	s1 =	rddreg [dreg:$0x0]  }
0x2: {  	s0 =	rddreg [dreg:$0x1];
	s2 =	srdreg.scid  }
0x3: {  	s3 =	stileid.u32;
	s4 =	rddreg [dreg:$0x3]  }
0x4: {  	s10 =	simm.s32 $0x9;
	s11 =	simm.s32 $0x6800;
	s12 =	simm.s32 $0x64  }
0x5: {  	s13 =	simm.s32 $0xCC00;
	s14 =	simm.s32 $0x68;
	s15 =	simm.s32 $0xFE00  }
0x6: {  	s16 =	simm.s32 $0x1;
	s17 =	simm.s32 $0x13000;
	s18 =	simm.s32 $0x2  }
0x7: {  	s19 =	simm.s32 $0x16200;
	s20 =	simm.s32 $0x3;
	s21 =	simm.s32 $0x5  }
0x8: {  	s22 =	simm.s32 $0x4;
	s23 =	simm.s32 $0x6;
	s24 =	simm.s32 $0x7  }
0x9: {  	s25 =	simm.s32 $0x8;
	s2 =	sand.u32 $0x1, s2;
	s5 =	sshll.u32 s3, $0x1  }
.Ltmp0:
0xa: {  	s26 =	simm.s32 $0x0;
	s6 =	sor.u32 s2, s5;
	(pc) =	sbr.rel .LBB2_1-.Ltmp0, $4  }
0xb: {  	s5 =	simm.s32 $0x0;
	s2 =	ssub.s32 $0x2, s2;
	s7 =	smul.u32 $0xD00, s6  }
0xc: {  	[smem:$0x7FF] =	sst s5;
	s6 =	smul.u32 $0x6400, s6;
	s31 =	sshrl.u32 s2, $0x1  }
0xd: {  	_ =	strace $0x80000047;
	s2 =	ssub.s32 s2, s31;
	s0 =	sadd.s32 s7, s0  }
0xe: {  	s8 =	sor.u32 $0x64, s6;
	s9 =	smax.u32 s2, $0x1;
	s7 =	sadd.s32 $0x400, s0  }
.LBB2_12:
0xf: {  	s26 =	sadd.s32 $0x1, s26  }
0x10: {  	_ =	swait.ge [sflag:s24], $0x3200;
	p0 =	sne.s32 s26, s9  }
.Ltmp1:
0x11: {  	[sflag:s24] =	ssyncset.done $0x0;
	(pc) =	sbr.rel @!p0 .LBB2_13-.Ltmp1, $4  }
0x12: {  	[sflag:s24] =	ssyncadd.s32 $0xFFFFCE00  }
0x13: {  	_ =	swait.ge [sflag:s25], $0x3200  }
0x14: {  	[sflag:s25] =	ssyncset.done $0x0  }
0x15: {  	[sflag:s25] =	ssyncadd.s32 $0xFFFFCE00  }
.LBB2_1:
0x16: {  	[tilespmem:s5], [sflag:$0x9] =	stream.linear.gather [hbm4b:s7+s5], $0x6800, $0x38;
	[tilespmem:$0x19400] =	vst v63  }
0x17: {  	_ =	swait.ge [sflag:s10], $0x6800  }
0x18: {  	[sflag:s10] =	ssyncset.done $0x0  }
0x19: {  	[sflag:s10] =	ssyncadd.s32 $0xFFFF9800  }
0x1a: {  	s0 =	rddreg [dreg:$0x2]  }
0x1b: {  	[tilespmem:s11], [sflag:$0x9] =	stream.linear.gather [hbm4b:s0+s5], $0x6400, $0x38;
	[tilespmem:$0x19400] =	vst v63  }
0x1c: {  	_ =	swait.ge [sflag:s10], $0x6400  }
0x1d: {  	[sflag:s10] =	ssyncset.done $0x0  }
0x1e: {  	[sflag:s10] =	ssyncadd.s32 $0xFFFF9C00  }
0x1f: {  	[tilespmem:s13], [sflag:$0x1] =	stream.indirect.gather [hbm4b:s1+s12], $0x80, s5, s12, $0xb8;
	[tilespmem:$0x19400] =	vst v63  }
0x20: {  	s28 =	simm.s32 $0x0  }
0x21: {  	[tilespmem:s15], [sflag:$0x2] =	stream.indirect.gather [hbm4b:s1+s12], $0x80, s14, s12, $0xb8;
	[tilespmem:$0x19400] =	vst v63  }
.LBB2_2:
0x22: {  	_ =	swait.ge [sflag:s16], $0x3200  }
0x23: {  	[sflag:s16] =	ssyncset.done $0x0  }
0x24: {  	s30 =	simm.s32 $0x0;
	[sflag:s16] =	ssyncadd.s32 $0xFFFFCE00  }
0x25: {  	v6 =	vld [tilespmem:s30+$0x6800]  }
0x26: {  	v11 =	vld [tilespmem:s30+$0x6810]  }
0x27: {  	v5 =	vld [tilespmem:s30+$0x6820]  }
0x28: {  	v4 =	vld [tilespmem:s30+$0x6830]  }
0x29: {  	v3 =	vld [tilespmem:s30+$0x6840]  }
0x2a: {  	v2 =	vld [tilespmem:s30+$0x6850]  }
0x2b: {  	v1 =	vld [tilespmem:s30+$0x6860]  }
0x2c: {  	v0 =	vld [tilespmem:s30+$0x6870]  }
0x2d: {  	v12 =	vld [tilespmem:s30+$0xCC00]  }
0x2e: {  	v13 =	vld [tilespmem:s30+$0xCC10]  }
0x2f: {  	v10 =	vld [tilespmem:s30+$0xCC20]  }
0x30: {  	v9 =	vld [tilespmem:s30+$0xCC30]  }
0x31: {  	v8 =	vld [tilespmem:s30+$0xCC40]  }
0x32: {  	v7 =	vld [tilespmem:s30+$0xCC50];
	v12 =	vadd.f32 v6, v12  }
0x33: {  	s2 =	simm.s32 $0x200;
	v11 =	vadd.f32 v11, v13;
	v6 =	vld [tilespmem:s30+$0xCC60]  }
.LBB2_3:
0x34: {  	s0 =	sshra.s32 s2, $0x2;
	p0 =	sne.s32 s2, $0xC600;
	[tilespmem:s30+$0xCC00] =	vst v12;
	v5 =	vadd.f32 v5, v10;
	v10 =	vld [tilespmem:s30+$0xCC70]  }
0x35: {  	v12 =	vld [tilespmem:s0+$0x6800];
	[tilespmem:s30+$0xCC10] =	vst v11;
	v4 =	vadd.f32 v4, v9  }
0x36: {  	v11 =	vld [tilespmem:s0+$0x6810];
	[tilespmem:s30+$0xCC20] =	vst v5;
	v3 =	vadd.f32 v3, v8  }
0x37: {  	v5 =	vld [tilespmem:s0+$0x6820];
	[tilespmem:s30+$0xCC30] =	vst v4;
	v2 =	vadd.f32 v2, v7  }
0x38: {  	v4 =	vld [tilespmem:s0+$0x6830];
	[tilespmem:s30+$0xCC40] =	vst v3;
	v1 =	vadd.f32 v1, v6  }
0x39: {  	v3 =	vld [tilespmem:s0+$0x6840];
	[tilespmem:s30+$0xCC50] =	vst v2;
	v0 =	vadd.f32 v0, v10  }
0x3a: {  	v2 =	vld [tilespmem:s0+$0x6850];
	[tilespmem:s30+$0xCC60] =	vst v1  }
0x3b: {  	v1 =	vld [tilespmem:s0+$0x6860];
	[tilespmem:s30+$0xCC70] =	vst v0;
	s30 =	smov.u32 s0  }
0x3c: {  	v0 =	vld [tilespmem:s30+$0x6870]  }
0x3d: {  	v6 =	vld [tilespmem:s30+$0xCC00]  }
0x3e: {  	v13 =	vld [tilespmem:s30+$0xCC10]  }
.Ltmp2:
0x3f: {  	v10 =	vld [tilespmem:s30+$0xCC20];
	(pc) =	sbr.rel @p0 .LBB2_3-.Ltmp2, $4  }
0x40: {  	v9 =	vld [tilespmem:s30+$0xCC30]  }
0x41: {  	v8 =	vld [tilespmem:s30+$0xCC40]  }
0x42: {  	v12 =	vadd.f32 v12, v6;
	v7 =	vld [tilespmem:s30+$0xCC50]  }
0x43: {  	s2 =	sadd.s32 $0x200, s2;
	v11 =	vadd.f32 v11, v13;
	v6 =	vld [tilespmem:s30+$0xCC60]  }
0x44: {  	[tilespmem:s30+$0xCC00] =	vst v12;
	v5 =	vadd.f32 v5, v10;
	v10 =	vld [tilespmem:s30+$0xCC70]  }
0x45: {  	[tilespmem:s30+$0xCC10] =	vst v11;
	v4 =	vadd.f32 v4, v9  }
0x46: {  	[tilespmem:s30+$0xCC20] =	vst v5;
	v3 =	vadd.f32 v3, v8  }
0x47: {  	s29 =	smul.u32 $0x190, s28;
	[tilespmem:s30+$0xCC30] =	vst v4;
	v2 =	vadd.f32 v2, v7  }
0x48: {  	[tilespmem:s30+$0xCC40] =	vst v3;
	v1 =	vadd.f32 v1, v6  }
0x49: {  	s0 =	sadd.s32 s6, s29;
	[tilespmem:s30+$0xCC50] =	vst v2;
	v0 =	vadd.f32 v0, v10  }
0x4a: {  	s0 =	sshll.u32 s0, $0x4;
	[tilespmem:s30+$0xCC60] =	vst v1  }
0x4b: {  	s31 =	sshll.u32 s28, $0x2;
	p0 =	seq.s32 s28, $0x0;
	s0 =	sadd.s32 s4, s0;
	[tilespmem:s30+$0xCC70] =	vst v0  }
0x4c: {  	[hbm4b:s0+s5] =	stream.linear.scatter [tilespmem:s13], [sflag:$0x5], $0x3200, $0x38;
	[tilespmem:$0x19400] =	vst v63  }
0x4d: {  	s30 =	sor.u32 $0x2, s31;
	s0 =	simm.s32 @!p0 $0x7  }
0x4e: {  	s2 =	smul.u32 $0x1A0, s30;
	_ =	swait.ge @!p0 [sflag:s0], $0x3200  }
0x4f: {  	[sflag:s0] =	ssyncset.done @!p0 $0x0  }
0x50: {  	s3 =	sshra.s32 s2, $0x2;
	[sflag:s0] =	ssyncadd.s32 @!p0 $0xFFFFCE00  }
0x51: {  	[tilespmem:s17], [sflag:$0x3] =	stream.indirect.gather [hbm4b:s1+s12], $0x80, s3, s12, $0xb8;
	[tilespmem:$0x19400] =	vst v63  }
0x52: {  	_ =	swait.ge [sflag:s18], $0x3200  }
0x53: {  	[sflag:s18] =	ssyncset.done $0x0  }
0x54: {  	s2 =	simm.s32 $0x0;
	[sflag:s18] =	ssyncadd.s32 $0xFFFFCE00  }
0x55: {  	v7 =	vld [tilespmem:s2+$0x9A00]  }
0x56: {  	v11 =	vld [tilespmem:s2+$0x9A10]  }
0x57: {  	v5 =	vld [tilespmem:s2+$0x9A20]  }
0x58: {  	v4 =	vld [tilespmem:s2+$0x9A30]  }
0x59: {  	v3 =	vld [tilespmem:s2+$0x9A40]  }
0x5a: {  	v2 =	vld [tilespmem:s2+$0x9A50]  }
0x5b: {  	v1 =	vld [tilespmem:s2+$0x9A60]  }
0x5c: {  	v0 =	vld [tilespmem:s2+$0x9A70]  }
0x5d: {  	v12 =	vld [tilespmem:s2+$0xFE00]  }
0x5e: {  	v13 =	vld [tilespmem:s2+$0xFE10]  }
0x5f: {  	v10 =	vld [tilespmem:s2+$0xFE20]  }
0x60: {  	v9 =	vld [tilespmem:s2+$0xFE30]  }
0x61: {  	v8 =	vld [tilespmem:s2+$0xFE40]  }
0x62: {  	v6 =	vld [tilespmem:s2+$0xFE50];
	v12 =	vadd.f32 v7, v12  }
0x63: {  	s0 =	simm.s32 $0x200;
	v11 =	vadd.f32 v11, v13;
	v7 =	vld [tilespmem:s2+$0xFE60]  }
.LBB2_5:
0x64: {  	s3 =	sshra.s32 s0, $0x2;
	p1 =	sne.s32 s0, $0xC600;
	[tilespmem:s2+$0xFE00] =	vst v12;
	v5 =	vadd.f32 v5, v10;
	v10 =	vld [tilespmem:s2+$0xFE70]  }
0x65: {  	v12 =	vld [tilespmem:s3+$0x9A00];
	[tilespmem:s2+$0xFE10] =	vst v11;
	v4 =	vadd.f32 v4, v9  }
0x66: {  	v11 =	vld [tilespmem:s3+$0x9A10];
	[tilespmem:s2+$0xFE20] =	vst v5;
	v3 =	vadd.f32 v3, v8  }
0x67: {  	v5 =	vld [tilespmem:s3+$0x9A20];
	[tilespmem:s2+$0xFE30] =	vst v4;
	v2 =	vadd.f32 v2, v6  }
0x68: {  	v4 =	vld [tilespmem:s3+$0x9A30];
	[tilespmem:s2+$0xFE40] =	vst v3;
	v1 =	vadd.f32 v1, v7  }
0x69: {  	v3 =	vld [tilespmem:s3+$0x9A40];
	[tilespmem:s2+$0xFE50] =	vst v2;
	v0 =	vadd.f32 v0, v10  }
0x6a: {  	v2 =	vld [tilespmem:s3+$0x9A50];
	[tilespmem:s2+$0xFE60] =	vst v1  }
0x6b: {  	v1 =	vld [tilespmem:s3+$0x9A60];
	[tilespmem:s2+$0xFE70] =	vst v0;
	s2 =	smov.u32 s3  }
0x6c: {  	v0 =	vld [tilespmem:s2+$0x9A70]  }
0x6d: {  	v6 =	vld [tilespmem:s2+$0xFE00]  }
0x6e: {  	v7 =	vld [tilespmem:s2+$0xFE10]  }
.Ltmp3:
0x6f: {  	v10 =	vld [tilespmem:s2+$0xFE20];
	(pc) =	sbr.rel @p1 .LBB2_5-.Ltmp3, $4  }
0x70: {  	v9 =	vld [tilespmem:s2+$0xFE30]  }
0x71: {  	v8 =	vld [tilespmem:s2+$0xFE40]  }
0x72: {  	v12 =	vadd.f32 v12, v6;
	v6 =	vld [tilespmem:s2+$0xFE50]  }
0x73: {  	s0 =	sadd.s32 $0x200, s0;
	v11 =	vadd.f32 v11, v7;
	v7 =	vld [tilespmem:s2+$0xFE60]  }
0x74: {  	[tilespmem:s2+$0xFE00] =	vst v12;
	v5 =	vadd.f32 v5, v10;
	v10 =	vld [tilespmem:s2+$0xFE70]  }
0x75: {  	[tilespmem:s2+$0xFE10] =	vst v11;
	v4 =	vadd.f32 v4, v9  }
0x76: {  	[tilespmem:s2+$0xFE20] =	vst v5;
	v3 =	vadd.f32 v3, v8  }
0x77: {  	[tilespmem:s2+$0xFE30] =	vst v4;
	v2 =	vadd.f32 v2, v6  }
0x78: {  	s0 =	sadd.s32 s29, s8;
	[tilespmem:s2+$0xFE40] =	vst v3;
	v1 =	vadd.f32 v1, v7  }
0x79: {  	s0 =	sshll.u32 s0, $0x4;
	[tilespmem:s2+$0xFE50] =	vst v2;
	v0 =	vadd.f32 v0, v10  }
0x7a: {  	s0 =	sand.u32 $0x1FFFFF40, s0;
	[tilespmem:s2+$0xFE60] =	vst v1  }
0x7b: {  	s0 =	sadd.s32 s4, s0;
	[tilespmem:s2+$0xFE70] =	vst v0  }
0x7c: {  	[hbm4b:s0+s5] =	stream.linear.scatter [tilespmem:s15], [sflag:$0x6], $0x3200, $0x38;
	[tilespmem:$0x19400] =	vst v63  }
0x7d: {  	s29 =	sor.u32 $0x3, s31;
	s0 =	simm.s32 @!p0 $0x8  }
0x7e: {  	s3 =	smul.u32 $0x1A0, s29;
	_ =	swait.ge @!p0 [sflag:s0], $0x3200  }
0x7f: {  	[sflag:s0] =	ssyncset.done @!p0 $0x0  }
0x80: {  	s3 =	sshra.s32 s3, $0x2;
	[sflag:s0] =	ssyncadd.s32 @!p0 $0xFFFFCE00  }
0x81: {  	[tilespmem:s19], [sflag:$0x4] =	stream.indirect.gather [hbm4b:s1+s12], $0x80, s3, s12, $0xb8;
	[tilespmem:$0x19400] =	vst v63  }
0x82: {  	_ =	swait.ge [sflag:s20], $0x3200  }
0x83: {  	[sflag:s20] =	ssyncset.done $0x0  }
0x84: {  	s31 =	simm.s32 $0x0;
	[sflag:s20] =	ssyncadd.s32 $0xFFFFCE00  }
0x85: {  	v7 =	vld [tilespmem:s31+$0x6800]  }
0x86: {  	v11 =	vld [tilespmem:s31+$0x6810]  }
0x87: {  	v5 =	vld [tilespmem:s31+$0x6820]  }
0x88: {  	v4 =	vld [tilespmem:s31+$0x6830]  }
0x89: {  	v3 =	vld [tilespmem:s31+$0x6840]  }
0x8a: {  	v2 =	vld [tilespmem:s31+$0x6850]  }
0x8b: {  	v1 =	vld [tilespmem:s31+$0x6860]  }
0x8c: {  	v0 =	vld [tilespmem:s31+$0x6870]  }
0x8d: {  	v12 =	vld [tilespmem:s31+$0x13000]  }
0x8e: {  	v13 =	vld [tilespmem:s31+$0x13010]  }
0x8f: {  	v10 =	vld [tilespmem:s31+$0x13020]  }
0x90: {  	v9 =	vld [tilespmem:s31+$0x13030]  }
0x91: {  	v8 =	vld [tilespmem:s31+$0x13040]  }
0x92: {  	v6 =	vld [tilespmem:s31+$0x13050];
	v12 =	vadd.f32 v7, v12  }
0x93: {  	s0 =	simm.s32 $0x200;
	v11 =	vadd.f32 v11, v13;
	v7 =	vld [tilespmem:s31+$0x13060]  }
.LBB2_7:
0x94: {  	s2 =	sshra.s32 s0, $0x2;
	p0 =	sne.s32 s0, $0xC600;
	[tilespmem:s31+$0x13000] =	vst v12;
	v5 =	vadd.f32 v5, v10;
	v10 =	vld [tilespmem:s31+$0x13070]  }
0x95: {  	v12 =	vld [tilespmem:s2+$0x6800];
	[tilespmem:s31+$0x13010] =	vst v11;
	v4 =	vadd.f32 v4, v9  }
0x96: {  	v11 =	vld [tilespmem:s2+$0x6810];
	[tilespmem:s31+$0x13020] =	vst v5;
	v3 =	vadd.f32 v3, v8  }
0x97: {  	v5 =	vld [tilespmem:s2+$0x6820];
	[tilespmem:s31+$0x13030] =	vst v4;
	v2 =	vadd.f32 v2, v6  }
0x98: {  	v4 =	vld [tilespmem:s2+$0x6830];
	[tilespmem:s31+$0x13040] =	vst v3;
	v1 =	vadd.f32 v1, v7  }
0x99: {  	v3 =	vld [tilespmem:s2+$0x6840];
	[tilespmem:s31+$0x13050] =	vst v2;
	v0 =	vadd.f32 v0, v10  }
0x9a: {  	v2 =	vld [tilespmem:s2+$0x6850];
	[tilespmem:s31+$0x13060] =	vst v1  }
0x9b: {  	v1 =	vld [tilespmem:s2+$0x6860];
	[tilespmem:s31+$0x13070] =	vst v0;
	s31 =	smov.u32 s2  }
0x9c: {  	v0 =	vld [tilespmem:s31+$0x6870]  }
0x9d: {  	v6 =	vld [tilespmem:s31+$0x13000]  }
0x9e: {  	v7 =	vld [tilespmem:s31+$0x13010]  }
.Ltmp4:
0x9f: {  	v10 =	vld [tilespmem:s31+$0x13020];
	(pc) =	sbr.rel @p0 .LBB2_7-.Ltmp4, $4  }
0xa0: {  	v9 =	vld [tilespmem:s31+$0x13030]  }
0xa1: {  	v8 =	vld [tilespmem:s31+$0x13040]  }
0xa2: {  	v12 =	vadd.f32 v12, v6;
	v6 =	vld [tilespmem:s31+$0x13050]  }
0xa3: {  	s0 =	sadd.s32 $0x200, s0;
	v11 =	vadd.f32 v11, v7;
	v7 =	vld [tilespmem:s31+$0x13060]  }
0xa4: {  	[tilespmem:s31+$0x13000] =	vst v12;
	v5 =	vadd.f32 v5, v10;
	v10 =	vld [tilespmem:s31+$0x13070]  }
0xa5: {  	[tilespmem:s31+$0x13010] =	vst v11;
	v4 =	vadd.f32 v4, v9  }
0xa6: {  	s0 =	smul.u32 $0x64, s30;
	[tilespmem:s31+$0x13020] =	vst v5;
	v3 =	vadd.f32 v3, v8  }
0xa7: {  	[tilespmem:s31+$0x13030] =	vst v4;
	v2 =	vadd.f32 v2, v6  }
0xa8: {  	s0 =	sadd.s32 s6, s0;
	[tilespmem:s31+$0x13040] =	vst v3;
	v1 =	vadd.f32 v1, v7  }
0xa9: {  	s0 =	sshll.u32 s0, $0x4;
	[tilespmem:s31+$0x13050] =	vst v2;
	v0 =	vadd.f32 v0, v10  }
0xaa: {  	s0 =	sand.u32 $0x1FFFFF80, s0;
	[tilespmem:s31+$0x13060] =	vst v1  }
0xab: {  	p0 =	seq.s32 s28, $0x3F;
	s0 =	sadd.s32 s4, s0;
	[tilespmem:s31+$0x13070] =	vst v0  }
0xac: {  	[hbm4b:s0+s5] =	stream.linear.scatter [tilespmem:s17], [sflag:$0x7], $0x3200, $0x38;
	[tilespmem:$0x19400] =	vst v63  }
0xad: {  	s0 =	smul.u32 @!p0 $0x680, s28  }
0xae: {  	_ =	swait.ge [sflag:s21], $0x3200  }
0xaf: {  	s2 =	simm.s32 @!p0 $0x64;
	[sflag:s21] =	ssyncset.done $0x0;
	s0 =	sshra.s32 @!p0 s0, $0x2  }
0xb0: {  	s3 =	simm.s32 @!p0 $0xCC00;
	[sflag:s21] =	ssyncadd.s32 $0xFFFFCE00;
	s0 =	sadd.s32 @!p0 $0x1A0, s0  }
0xb1: {  	[tilespmem:s3], [sflag:$0x1] =	stream.indirect.gather @!p0 [hbm4b:s1+s2], $0x80, s0, s2, $0xb8;
	[tilespmem:$0x19400] =	vst v63  }
0xb2: {  	_ =	swait.ge [sflag:s22], $0x3200  }
0xb3: {  	[sflag:s22] =	ssyncset.done $0x0  }
0xb4: {  	s30 =	simm.s32 $0x0;
	[sflag:s22] =	ssyncadd.s32 $0xFFFFCE00  }
0xb5: {  	v7 =	vld [tilespmem:s30+$0x9A00]  }
0xb6: {  	v11 =	vld [tilespmem:s30+$0x9A10]  }
0xb7: {  	v5 =	vld [tilespmem:s30+$0x9A20]  }
0xb8: {  	v4 =	vld [tilespmem:s30+$0x9A30]  }
0xb9: {  	v3 =	vld [tilespmem:s30+$0x9A40]  }
0xba: {  	v2 =	vld [tilespmem:s30+$0x9A50]  }
0xbb: {  	v1 =	vld [tilespmem:s30+$0x9A60]  }
0xbc: {  	v0 =	vld [tilespmem:s30+$0x9A70]  }
0xbd: {  	v12 =	vld [tilespmem:s30+$0x16200]  }
0xbe: {  	v13 =	vld [tilespmem:s30+$0x16210]  }
0xbf: {  	v10 =	vld [tilespmem:s30+$0x16220]  }
0xc0: {  	v9 =	vld [tilespmem:s30+$0x16230]  }
0xc1: {  	v8 =	vld [tilespmem:s30+$0x16240]  }
0xc2: {  	v6 =	vld [tilespmem:s30+$0x16250];
	v12 =	vadd.f32 v7, v12  }
0xc3: {  	s0 =	simm.s32 $0x200;
	v11 =	vadd.f32 v11, v13;
	v7 =	vld [tilespmem:s30+$0x16260]  }
.LBB2_9:
0xc4: {  	s2 =	sshra.s32 s0, $0x2;
	p1 =	sne.s32 s0, $0xC600;
	[tilespmem:s30+$0x16200] =	vst v12;
	v5 =	vadd.f32 v5, v10;
	v10 =	vld [tilespmem:s30+$0x16270]  }
0xc5: {  	v12 =	vld [tilespmem:s2+$0x9A00];
	[tilespmem:s30+$0x16210] =	vst v11;
	v4 =	vadd.f32 v4, v9  }
0xc6: {  	v11 =	vld [tilespmem:s2+$0x9A10];
	[tilespmem:s30+$0x16220] =	vst v5;
	v3 =	vadd.f32 v3, v8  }
0xc7: {  	v5 =	vld [tilespmem:s2+$0x9A20];
	[tilespmem:s30+$0x16230] =	vst v4;
	v2 =	vadd.f32 v2, v6  }
0xc8: {  	v4 =	vld [tilespmem:s2+$0x9A30];
	[tilespmem:s30+$0x16240] =	vst v3;
	v1 =	vadd.f32 v1, v7  }
0xc9: {  	v3 =	vld [tilespmem:s2+$0x9A40];
	[tilespmem:s30+$0x16250] =	vst v2;
	v0 =	vadd.f32 v0, v10  }
0xca: {  	v2 =	vld [tilespmem:s2+$0x9A50];
	[tilespmem:s30+$0x16260] =	vst v1  }
0xcb: {  	v1 =	vld [tilespmem:s2+$0x9A60];
	[tilespmem:s30+$0x16270] =	vst v0;
	s30 =	smov.u32 s2  }
0xcc: {  	v0 =	vld [tilespmem:s30+$0x9A70]  }
0xcd: {  	v6 =	vld [tilespmem:s30+$0x16200]  }
0xce: {  	v7 =	vld [tilespmem:s30+$0x16210]  }
.Ltmp5:
0xcf: {  	v10 =	vld [tilespmem:s30+$0x16220];
	(pc) =	sbr.rel @p1 .LBB2_9-.Ltmp5, $4  }
0xd0: {  	v9 =	vld [tilespmem:s30+$0x16230]  }
0xd1: {  	v8 =	vld [tilespmem:s30+$0x16240]  }
0xd2: {  	v12 =	vadd.f32 v12, v6;
	v6 =	vld [tilespmem:s30+$0x16250]  }
0xd3: {  	s0 =	sadd.s32 $0x200, s0;
	v11 =	vadd.f32 v11, v7;
	v7 =	vld [tilespmem:s30+$0x16260]  }
0xd4: {  	[tilespmem:s30+$0x16200] =	vst v12;
	v5 =	vadd.f32 v5, v10;
	v63 =	vld [tilespmem:s30+$0x16270]  }
0xd5: {  	[tilespmem:s30+$0x16210] =	vst v11;
	v4 =	vadd.f32 v4, v9  }
0xd6: {  	s0 =	smul.u32 $0x64, s29;
	[tilespmem:s30+$0x16220] =	vst v5;
	v3 =	vadd.f32 v3, v8  }
0xd7: {  	[tilespmem:s30+$0x16230] =	vst v4;
	v2 =	vadd.f32 v2, v6  }
0xd8: {  	s0 =	sadd.s32 s6, s0;
	[tilespmem:s30+$0x16240] =	vst v3;
	v1 =	vadd.f32 v1, v7  }
0xd9: {  	s0 =	sshll.u32 s0, $0x4;
	[tilespmem:s30+$0x16250] =	vst v2;
	v0 =	vadd.f32 v0, v63  }
0xda: {  	s0 =	sand.u32 $0x1FFFFFC0, s0;
	[tilespmem:s30+$0x16260] =	vst v1  }
.Ltmp6:
0xdb: {  	s0 =	sadd.s32 s4, s0;
	[tilespmem:s30+$0x16270] =	vst v0;
	(pc) =	sbr.rel @p0 .LBB2_12-.Ltmp6, $4  }
0xdc: {  	[hbm4b:s0+s5] =	stream.linear.scatter [tilespmem:s19], [sflag:$0x8], $0x3200, $0x38;
	[tilespmem:$0x19400] =	vst v63  }
0xdd: {  	_ =	swait.ge [sflag:s23], $0x3200  }
0xde: {  	[sflag:s23] =	ssyncset.done $0x0  }
0xdf: {  	[sflag:s23] =	ssyncadd.s32 $0xFFFFCE00  }
0xe0: {  	s0 =	smul.u32 $0x680, s28  }
.Ltmp7:
0xe1: {  	_ = 	snop;
	(pc) =	sbr.rel .LBB2_2-.Ltmp7, $4  }
0xe2: {  	_ = 	snop  }
0xe3: {  	s0 =	sshra.s32 s0, $0x2  }
0xe4: {  	s28 =	sadd.s32 $0x1, s28;
	s0 =	sadd.s32 $0x208, s0  }
0xe5: {  	[tilespmem:s15], [sflag:$0x2] =	stream.indirect.gather [hbm4b:s1+s12], $0x80, s0, s12, $0xb8;
	[tilespmem:$0x19400] =	vst v63  }
.LBB2_13:
0xe6: {  	_ =	sfence.sel $0x180000  }
0xe7: {  	[bflag:$0x0] =	sbarrier.arrive $0xFFFF  }
0xe8: {  	_ =	strace $0x90000047  }
0xe9: {  	s0 =	stileid.u32;
	[bflag:$0x2] =	sbarrier.arrive $0xFFFF  }
0xea: {  	p0 =	sne.s32 s0, $0x0;
	s0 =	rddreg [dreg:$0x4]  }
0xeb: {  	s0 =	sadd.s32 @!p0 $0x100000, s0  }
0xec: {  	[sflag:s0] =	ssyncadd.tile.s32 @!p0 $0x1;
	_ =	shalt  }
.Lfunc_end2:
_tile_overlayer_lowered:
.L_overlay_start_2:
0xed: {  	(tag) =	ssettag $0x2  }
0xee: {  	s0 =	rddreg [dreg:$0x0];
	s2 =	stileid.u32  }
0xef: {  	s1 =	rddreg [dreg:$0x1];
	p0 =	sne.s32 s2, $0x0  }
0xf0: {  	s3 =	rddreg [dreg:$0x2];
	[bflag:$0x3] =	sbarrier.arrive $0xFFFF;
	s2 =	simm.s32 @!p0 $0x1C09  }
0xf1: {  	[timem:s3], [sflag:s2] =	dma.local @!p0 [hbm:s0], s1  }
0xf2: {  	s0 =	simm.s32 @!p0 $0x9  }
0xf3: {  	_ =	swait.ge @!p0 [sflag:s0], s1  }
0xf4: {  	s1 =	ssub.s32 @!p0 $0x0, s1;
	[sflag:s0] =	ssyncset.done @!p0 $0x0  }
0xf5: {  	[sflag:s0] =	ssyncadd.s32 @!p0 s1  }
0xf6: {  	[bflag:$0x3] =	sbarrier.arrive $0xFFFF  }
0xf7: {  	_ =	shalt  }

</sc_bundles>
